<compile_context>
chip_gen: v7x
topology: tpu7x:2x2x1
jax: 0.10.2.dev20260603
libtpu: 0.0.44.dev20260713+nightly
codegen_flags: <defaults>
</compile_context>

<pallas_src>
import functools

import jax
import jax.numpy as jnp
from jax import lax
from jax.experimental import pallas as pl
from jax.experimental.pallas import tpu as pltpu
from jax.experimental.pallas import tpu_sc as plsc

BATCH = 16384
EMBED = 128
_CHUNKROWS = 128
_NW = 32
_NSPLIT = 2
_BS = BATCH // _NSPLIT
_G = _BS // _CHUNKROWS
_CPW = _G // _NW


def _sc_gather_build(chunk):
    mesh = plsc.VectorSubcoreMesh(core_axis_name="c", subcore_axis_name="s")

    @functools.partial(
        pl.kernel,
        mesh=mesh,
        out_type=(
            jax.ShapeDtypeStruct((_G, _CHUNKROWS, EMBED), jnp.float32),
            jax.ShapeDtypeStruct((_G, _CHUNKROWS, EMBED), jnp.float32),
        ),
        scratch_types=[
            pltpu.VMEM((_CPW, _CHUNKROWS), jnp.int32),
            pltpu.VMEM((_CPW, _CHUNKROWS), jnp.int32),
            pltpu.VMEM((_CPW, _CHUNKROWS, EMBED), jnp.float32),
            pltpu.VMEM((_CPW, _CHUNKROWS, EMBED), jnp.float32),
            pltpu.SemaphoreType.DMA,
            pltpu.SemaphoreType.DMA,
        ],
        compiler_params=pltpu.CompilerParams(use_tc_tiling_on_sc=True),
    )
    def sc_gather(users2d, items2d, eu_table, ei_table, eu_out, ei_out,
                  uidx_v, iidx_v, urows_v, irows_v, sem_u, sem_i):
        wid = lax.axis_index("s") * 2 + lax.axis_index("c")
        src = chunk * _G + wid * _CPW
        dst = wid * _CPW

        pltpu.sync_copy(users2d.at[pl.ds(src, _CPW)], uidx_v)
        pltpu.sync_copy(items2d.at[pl.ds(src, _CPW)], iidx_v)
        ucps = [
            pltpu.make_async_copy(eu_table.at[uidx_v.at[j]], urows_v.at[j],
                                  sem_u)
            for j in range(_CPW)
        ]
        icps = [
            pltpu.make_async_copy(ei_table.at[iidx_v.at[j]], irows_v.at[j],
                                  sem_i)
            for j in range(_CPW)
        ]
        for c in ucps:
            c.start()
        for c in icps:
            c.start()
        for c in ucps:
            c.wait()
        pltpu.sync_copy(urows_v, eu_out.at[pl.ds(dst, _CPW)])
        for c in icps:
            c.wait()
        pltpu.sync_copy(irows_v, ei_out.at[pl.ds(dst, _CPW)])

    return sc_gather


_sc_gather_cache = {}


def _sc_gather(chunk, *args):
    if chunk not in _sc_gather_cache:
        _sc_gather_cache[chunk] = _sc_gather_build(chunk)
    return _sc_gather_cache[chunk](*args)


def _mlp_body(eu_ref, ei_ref, w0u_ref, w0i_ref, b0_ref, w1_ref, b1_ref,
              w2_ref, b2_ref, wout_ref, bout_ref, out_ref):
    h = eu_ref[...] @ w0u_ref[...] + ei_ref[...] @ w0i_ref[...] + b0_ref[...]
    h = jnp.maximum(h, 0.0)
    h = jnp.maximum(h @ w1_ref[...] + b1_ref[...], 0.0)
    h = jnp.maximum(h @ w2_ref[...] + b2_ref[...], 0.0)
    s = h @ wout_ref[...] + bout_ref[0, 0]
    out_ref[...] = s.reshape(1, 1, -1)


def _mlp(eu, ei, w0u, w0i, b0, w1, b1, w2, b2, wout, bout, blk=4096):
    rows = eu.shape[0]
    nblk = rows // blk
    full = lambda i: (0, 0)
    return pl.pallas_call(
        _mlp_body,
        grid=(nblk,),
        in_specs=[
            pl.BlockSpec((blk, EMBED), lambda i: (i, 0)),
            pl.BlockSpec((blk, EMBED), lambda i: (i, 0)),
            pl.BlockSpec((128, 128), full),
            pl.BlockSpec((128, 128), full),
            pl.BlockSpec((1, 128), full),
            pl.BlockSpec((128, 64), full),
            pl.BlockSpec((1, 64), full),
            pl.BlockSpec((64, 32), full),
            pl.BlockSpec((1, 32), full),
            pl.BlockSpec((32, 1), full),
            pl.BlockSpec((1, 1), full),
        ],
        out_specs=pl.BlockSpec((1, 1, blk), lambda i: (i, 0, 0)),
        out_shape=jax.ShapeDtypeStruct((nblk, 1, blk), jnp.float32),
    )(eu, ei, w0u, w0i, b0, w1, b1, w2, b2, wout, bout)


def kernel(users, items, embed_user, embed_item, W0, b0, W1, b1, W2, b2,
           Wout, bout):
    users2d = users.astype(jnp.int32).reshape(BATCH // _CHUNKROWS, _CHUNKROWS)
    items2d = items.astype(jnp.int32).reshape(BATCH // _CHUNKROWS, _CHUNKROWS)
    w0u = W0[:, :EMBED].T
    w0i = W0[:, EMBED:].T
    b0r = b0.reshape(1, -1)
    w1t, b1r = W1.T, b1.reshape(1, -1)
    w2t, b2r = W2.T, b2.reshape(1, -1)
    woutt, boutr = Wout.T, bout.reshape(1, 1)

    outs = []
    for c in range(_NSPLIT):
        eu3, ei3 = _sc_gather(c, users2d, items2d, embed_user, embed_item)
        outs.append(_mlp(eu3.reshape(_BS, EMBED), ei3.reshape(_BS, EMBED),
                         w0u, w0i, b0r, w1t, b1r, w2t, b2r, woutt, boutr))
    out = outs[0] if _NSPLIT == 1 else jnp.concatenate(outs, axis=0)
    return out.reshape(-1)

# --- scband reference (transcript-rebuilt; emitter-appended) ---
"""Pipeline reference for scband-mlp-3702261809878 (READ-ONLY COPY).

The authoritative reference and input builder live on the scoring server;
editing this copy changes nothing except your own understanding.
"""

import jax, jax.numpy as jnp
import numpy as np

N_USERS = 100000
N_ITEMS = 100000
EMBED = 128
BATCH = 16384


def setup_inputs(seed: int = 0) -> dict:
    key = jax.random.key(seed)
    ks = jax.random.split(key, 12)
    users = jax.random.randint(ks[0], (BATCH,), 0, N_USERS, dtype=jnp.int64 if jax.config.jax_enable_x64 else jnp.int32)
    items = jax.random.randint(ks[1], (BATCH,), 0, N_ITEMS, dtype=jnp.int64 if jax.config.jax_enable_x64 else jnp.int32)
    embed_user = 0.01 * jax.random.normal(ks[2], (N_USERS, EMBED), dtype=jnp.float32)
    embed_item = 0.01 * jax.random.normal(ks[3], (N_ITEMS, EMBED), dtype=jnp.float32)
    # MLP layers: (2*E // 2**i) -> half, for i=0..2: 256->128, 128->64, 64->32
    def xavier(k, out_d, in_d):
        limit = np.sqrt(6.0 / (in_d + out_d))
        return jax.random.uniform(k, (out_d, in_d), dtype=jnp.float32, minval=-limit, maxval=limit)
    W0 = xavier(ks[4], 128, 256); b0 = jnp.zeros((128,), jnp.float32)
    W1 = xavier(ks[5], 64, 128);  b1 = jnp.zeros((64,), jnp.float32)
    W2 = xavier(ks[6], 32, 64);   b2 = jnp.zeros((32,), jnp.float32)
    Wout = xavier(ks[7], 1, 32);  bout = jnp.zeros((1,), jnp.float32)
    return {"users": users, "items": items,
            "embed_user": embed_user, "embed_item": embed_item,
            "W0": W0, "b0": b0, "W1": W1, "b1": b1, "W2": W2, "b2": b2,
            "Wout": Wout, "bout": bout}


def reference(users, items, embed_user, embed_item, W0, b0, W1, b1, W2, b2, Wout, bout):
    eu = jnp.take(embed_user, users, axis=0)
    ei = jnp.take(embed_item, items, axis=0)
    x = jnp.concatenate((eu, ei), axis=-1)
    # dropout p=0.0 -> identity
    x = jax.nn.relu(x @ W0.T + b0)
    x = jax.nn.relu(x @ W1.T + b1)
    x = jax.nn.relu(x @ W2.T + b2)
    out = x @ Wout.T + bout
    return out.reshape(-1)

if __name__ == "__main__":
    import jax
    _d = setup_inputs()
    print(jax.jit(kernel)(*tuple(_d.values())))

</pallas_src>

<mosaic_0001>
#map = affine_map<(d0, d1) -> (0, 0)>
#map1 = affine_map<(d0, d1) -> (0, 0, 0)>
module attributes {stable_mosaic.version = 14 : i64} {
  func.func @sc_gather(%arg0: i32, %arg1: i32, %arg2: memref<128x128xi32, #tpu.memory_space<hbm>>, %arg3: memref<128x128xi32, #tpu.memory_space<hbm>>, %arg4: memref<100000x128xf32, #tpu.memory_space<hbm>>, %arg5: memref<100000x128xf32, #tpu.memory_space<hbm>>, %arg6: memref<64x128x128xf32, #tpu.memory_space<hbm>>, %arg7: memref<64x128x128xf32, #tpu.memory_space<hbm>>, %arg8: memref<2x128xi32, #tpu.memory_space<vmem>>, %arg9: memref<2x128xi32, #tpu.memory_space<vmem>>, %arg10: memref<2x128x128xf32, #tpu.memory_space<vmem>>, %arg11: memref<2x128x128xf32, #tpu.memory_space<vmem>>, %arg12: memref<!tpu.dma_semaphore, #tpu.memory_space<semaphore_mem>>, %arg13: memref<!tpu.dma_semaphore, #tpu.memory_space<semaphore_mem>>) attributes {dimension_semantics = [#tpu.dimension_semantics<core_parallel>, #tpu.dimension_semantics<subcore_parallel>], iteration_bounds = array<i64: 2, 16>, scalar_prefetch = 0 : i64, scratch_operands = 6 : i64, tpu.core_type = #tpu.core_type<sc_vector_subcore>, window_params = [{transform_indices = #map}, {transform_indices = #map}, {transform_indices = #map}, {transform_indices = #map}, {transform_indices = #map1}, {transform_indices = #map1}]} {
    %mul3A = arith.constant 2 : i32
    %mul3A_0 = arith.muli %arg1, %mul3A : i32
    %add3A = arith.addi %mul3A_0, %arg0 : i32
    %mul3A_1 = arith.constant 2 : i32
    %mul3A_2 = arith.muli %add3A, %mul3A_1 : i32
    %add3A_3 = arith.constant 0 : i32
    %add3A_4 = arith.addi %add3A_3, %mul3A_2 : i32
    %mul3A_5 = arith.constant 2 : i32
    %mul3A_6 = arith.muli %add3A, %mul3A_5 : i32
    "tpu.region"() ({
      %run_scoped3A = tpu.sem_alloc : memref<!tpu.dma_semaphore, #tpu.memory_space<semaphore_mem>>
      %dma_start3A_101 = arith.constant 0 : i32
      %dma_start3A_102 = tpu.memref_slice %arg2[%add3A_4, %dma_start3A_101] : memref<128x128xi32, #tpu.memory_space<hbm>> -> memref<2x128xi32, #tpu.memory_space<hbm>>
      %dma_start3A_103 = arith.constant 0 : i32
      %dma_start3A_104 = tpu.memref_slice %arg2[%add3A_4, %dma_start3A_103] : memref<128x128xi32, #tpu.memory_space<hbm>> -> memref<2x128xi32, #tpu.memory_space<hbm>>
      tpu.enqueue_dma source(%dma_start3A_104 : memref<2x128xi32, #tpu.memory_space<hbm>>) target(%arg8 : memref<2x128xi32, #tpu.memory_space<vmem>>) target_semaphore(%run_scoped3A : memref<!tpu.dma_semaphore, #tpu.memory_space<semaphore_mem>>)
      %dma_wait3A_105 = arith.constant 0 : i32
      %dma_wait3A_106 = tpu.memref_slice %arg2[%add3A_4, %dma_wait3A_105] : memref<128x128xi32, #tpu.memory_space<hbm>> -> memref<2x128xi32, #tpu.memory_space<hbm>>
      %dma_wait3A_107 = arith.constant 0 : i32
      %dma_wait3A_108 = tpu.memref_slice %arg2[%add3A_4, %dma_wait3A_107] : memref<128x128xi32, #tpu.memory_space<hbm>> -> memref<2x128xi32, #tpu.memory_space<hbm>>
      tpu.wait_dma2 semaphore(%run_scoped3A : memref<!tpu.dma_semaphore, #tpu.memory_space<semaphore_mem>>) src(%dma_wait3A_108 : memref<2x128xi32, #tpu.memory_space<hbm>>) dst(%arg8 : memref<2x128xi32, #tpu.memory_space<vmem>>)
      tpu.yield
    }) : () -> ()
    "tpu.region"() ({
      %run_scoped3A = tpu.sem_alloc : memref<!tpu.dma_semaphore, #tpu.memory_space<semaphore_mem>>
      %dma_start3A_101 = arith.constant 0 : i32
      %dma_start3A_102 = tpu.memref_slice %arg3[%add3A_4, %dma_start3A_101] : memref<128x128xi32, #tpu.memory_space<hbm>> -> memref<2x128xi32, #tpu.memory_space<hbm>>
      %dma_start3A_103 = arith.constant 0 : i32
      %dma_start3A_104 = tpu.memref_slice %arg3[%add3A_4, %dma_start3A_103] : memref<128x128xi32, #tpu.memory_space<hbm>> -> memref<2x128xi32, #tpu.memory_space<hbm>>
      tpu.enqueue_dma source(%dma_start3A_104 : memref<2x128xi32, #tpu.memory_space<hbm>>) target(%arg9 : memref<2x128xi32, #tpu.memory_space<vmem>>) target_semaphore(%run_scoped3A : memref<!tpu.dma_semaphore, #tpu.memory_space<semaphore_mem>>)
      %dma_wait3A_105 = arith.constant 0 : i32
      %dma_wait3A_106 = tpu.memref_slice %arg3[%add3A_4, %dma_wait3A_105] : memref<128x128xi32, #tpu.memory_space<hbm>> -> memref<2x128xi32, #tpu.memory_space<hbm>>
      %dma_wait3A_107 = arith.constant 0 : i32
      %dma_wait3A_108 = tpu.memref_slice %arg3[%add3A_4, %dma_wait3A_107] : memref<128x128xi32, #tpu.memory_space<hbm>> -> memref<2x128xi32, #tpu.memory_space<hbm>>
      tpu.wait_dma2 semaphore(%run_scoped3A : memref<!tpu.dma_semaphore, #tpu.memory_space<semaphore_mem>>) src(%dma_wait3A_108 : memref<2x128xi32, #tpu.memory_space<hbm>>) dst(%arg9 : memref<2x128xi32, #tpu.memory_space<vmem>>)
      tpu.yield
    }) : () -> ()
    %dma_start3A = arith.constant 0 : i32
    %dma_start3A_7 = arith.constant 0 : i32
    %dma_start3A_8 = arith.constant 0 : i32
    %dma_start3A_9 = arith.constant 0 : i32
    %dma_start3A_10 = tpu.memref_slice %arg10[%dma_start3A_7, %dma_start3A_8, %dma_start3A_9] : memref<2x128x128xf32, #tpu.memory_space<vmem>> -> memref<1x128x128xf32, #tpu.memory_space<vmem>>
    %dma_start3A_11 = tpu.memref_squeeze %dma_start3A_10 : memref<1x128x128xf32, #tpu.memory_space<vmem>> -> memref<128x128xf32, #tpu.memory_space<vmem>>
    %dma_start3A_12 = arith.constant 0 : i32
    %dma_start3A_13 = tpu.memref_slice %arg8[%dma_start3A, %dma_start3A_12] : memref<2x128xi32, #tpu.memory_space<vmem>> -> memref<1x128xi32, #tpu.memory_space<vmem>>
    %dma_start3A_14 = tpu.memref_squeeze %dma_start3A_13 : memref<1x128xi32, #tpu.memory_space<vmem>> -> memref<128xi32, #tpu.memory_space<vmem>>
    %dma_start3A_15 = arith.constant 0 : i32
    %dma_start3A_16 = arith.constant 0 : i32
    %dma_start3A_17 = tpu.memref_slice %arg4[%dma_start3A_15, %dma_start3A_16] : memref<100000x128xf32, #tpu.memory_space<hbm>> -> memref<100000x128xf32, #tpu.memory_space<hbm>>
    tpu.enqueue_indirect_dma source(%dma_start3A_17 : memref<100000x128xf32, #tpu.memory_space<hbm>>) target(%dma_start3A_11 : memref<128x128xf32, #tpu.memory_space<vmem>>) offsets(%dma_start3A_14 : memref<128xi32, #tpu.memory_space<vmem>>) semaphore(%arg12 : memref<!tpu.dma_semaphore, #tpu.memory_space<semaphore_mem>>)
    %dma_start3A_18 = arith.constant 1 : i32
    %dma_start3A_19 = arith.constant 1 : i32
    %dma_start3A_20 = arith.constant 0 : i32
    %dma_start3A_21 = arith.constant 0 : i32
    %dma_start3A_22 = tpu.memref_slice %arg10[%dma_start3A_19, %dma_start3A_20, %dma_start3A_21] : memref<2x128x128xf32, #tpu.memory_space<vmem>> -> memref<1x128x128xf32, #tpu.memory_space<vmem>>
    %dma_start3A_23 = tpu.memref_squeeze %dma_start3A_22 : memref<1x128x128xf32, #tpu.memory_space<vmem>> -> memref<128x128xf32, #tpu.memory_space<vmem>>
    %dma_start3A_24 = arith.constant 0 : i32
    %dma_start3A_25 = tpu.memref_slice %arg8[%dma_start3A_18, %dma_start3A_24] : memref<2x128xi32, #tpu.memory_space<vmem>> -> memref<1x128xi32, #tpu.memory_space<vmem>>
    %dma_start3A_26 = tpu.memref_squeeze %dma_start3A_25 : memref<1x128xi32, #tpu.memory_space<vmem>> -> memref<128xi32, #tpu.memory_space<vmem>>
    %dma_start3A_27 = arith.constant 0 : i32
    %dma_start3A_28 = arith.constant 0 : i32
    %dma_start3A_29 = tpu.memref_slice %arg4[%dma_start3A_27, %dma_start3A_28] : memref<100000x128xf32, #tpu.memory_space<hbm>> -> memref<100000x128xf32, #tpu.memory_space<hbm>>
    tpu.enqueue_indirect_dma source(%dma_start3A_29 : memref<100000x128xf32, #tpu.memory_space<hbm>>) target(%dma_start3A_23 : memref<128x128xf32, #tpu.memory_space<vmem>>) offsets(%dma_start3A_26 : memref<128xi32, #tpu.memory_space<vmem>>) semaphore(%arg12 : memref<!tpu.dma_semaphore, #tpu.memory_space<semaphore_mem>>)
    %dma_start3A_30 = arith.constant 0 : i32
    %dma_start3A_31 = arith.constant 0 : i32
    %dma_start3A_32 = arith.constant 0 : i32
    %dma_start3A_33 = arith.constant 0 : i32
    %dma_start3A_34 = tpu.memref_slice %arg11[%dma_start3A_31, %dma_start3A_32, %dma_start3A_33] : memref<2x128x128xf32, #tpu.memory_space<vmem>> -> memref<1x128x128xf32, #tpu.memory_space<vmem>>
    %dma_start3A_35 = tpu.memref_squeeze %dma_start3A_34 : memref<1x128x128xf32, #tpu.memory_space<vmem>> -> memref<128x128xf32, #tpu.memory_space<vmem>>
    %dma_start3A_36 = arith.constant 0 : i32
    %dma_start3A_37 = tpu.memref_slice %arg9[%dma_start3A_30, %dma_start3A_36] : memref<2x128xi32, #tpu.memory_space<vmem>> -> memref<1x128xi32, #tpu.memory_space<vmem>>
    %dma_start3A_38 = tpu.memref_squeeze %dma_start3A_37 : memref<1x128xi32, #tpu.memory_space<vmem>> -> memref<128xi32, #tpu.memory_space<vmem>>
    %dma_start3A_39 = arith.constant 0 : i32
    %dma_start3A_40 = arith.constant 0 : i32
    %dma_start3A_41 = tpu.memref_slice %arg5[%dma_start3A_39, %dma_start3A_40] : memref<100000x128xf32, #tpu.memory_space<hbm>> -> memref<100000x128xf32, #tpu.memory_space<hbm>>
    tpu.enqueue_indirect_dma source(%dma_start3A_41 : memref<100000x128xf32, #tpu.memory_space<hbm>>) target(%dma_start3A_35 : memref<128x128xf32, #tpu.memory_space<vmem>>) offsets(%dma_start3A_38 : memref<128xi32, #tpu.memory_space<vmem>>) semaphore(%arg13 : memref<!tpu.dma_semaphore, #tpu.memory_space<semaphore_mem>>)
    %dma_start3A_42 = arith.constant 1 : i32
    %dma_start3A_43 = arith.constant 1 : i32
    %dma_start3A_44 = arith.constant 0 : i32
    %dma_start3A_45 = arith.constant 0 : i32
    %dma_start3A_46 = tpu.memref_slice %arg11[%dma_start3A_43, %dma_start3A_44, %dma_start3A_45] : memref<2x128x128xf32, #tpu.memory_space<vmem>> -> memref<1x128x128xf32, #tpu.memory_space<vmem>>
    %dma_start3A_47 = tpu.memref_squeeze %dma_start3A_46 : memref<1x128x128xf32, #tpu.memory_space<vmem>> -> memref<128x128xf32, #tpu.memory_space<vmem>>
    %dma_start3A_48 = arith.constant 0 : i32
    %dma_start3A_49 = tpu.memref_slice %arg9[%dma_start3A_42, %dma_start3A_48] : memref<2x128xi32, #tpu.memory_space<vmem>> -> memref<1x128xi32, #tpu.memory_space<vmem>>
    %dma_start3A_50 = tpu.memref_squeeze %dma_start3A_49 : memref<1x128xi32, #tpu.memory_space<vmem>> -> memref<128xi32, #tpu.memory_space<vmem>>
    %dma_start3A_51 = arith.constant 0 : i32
    %dma_start3A_52 = arith.constant 0 : i32
    %dma_start3A_53 = tpu.memref_slice %arg5[%dma_start3A_51, %dma_start3A_52] : memref<100000x128xf32, #tpu.memory_space<hbm>> -> memref<100000x128xf32, #tpu.memory_space<hbm>>
    tpu.enqueue_indirect_dma source(%dma_start3A_53 : memref<100000x128xf32, #tpu.memory_space<hbm>>) target(%dma_start3A_47 : memref<128x128xf32, #tpu.memory_space<vmem>>) offsets(%dma_start3A_50 : memref<128xi32, #tpu.memory_space<vmem>>) semaphore(%arg13 : memref<!tpu.dma_semaphore, #tpu.memory_space<semaphore_mem>>)
    %dma_wait3A = arith.constant 0 : i32
    %dma_wait3A_54 = arith.constant 0 : i32
    %dma_wait3A_55 = arith.constant 0 : i32
    %dma_wait3A_56 = arith.constant 0 : i32
    %dma_wait3A_57 = tpu.memref_slice %arg10[%dma_wait3A_54, %dma_wait3A_55, %dma_wait3A_56] : memref<2x128x128xf32, #tpu.memory_space<vmem>> -> memref<1x128x128xf32, #tpu.memory_space<vmem>>
    %dma_wait3A_58 = tpu.memref_squeeze %dma_wait3A_57 : memref<1x128x128xf32, #tpu.memory_space<vmem>> -> memref<128x128xf32, #tpu.memory_space<vmem>>
    %dma_wait3A_59 = arith.constant 0 : i32
    %dma_wait3A_60 = tpu.memref_slice %arg8[%dma_wait3A, %dma_wait3A_59] : memref<2x128xi32, #tpu.memory_space<vmem>> -> memref<1x128xi32, #tpu.memory_space<vmem>>
    %dma_wait3A_61 = tpu.memref_squeeze %dma_wait3A_60 : memref<1x128xi32, #tpu.memory_space<vmem>> -> memref<128xi32, #tpu.memory_space<vmem>>
    %dma_wait3A_62 = arith.constant 0 : i32
    %dma_wait3A_63 = arith.constant 0 : i32
    %dma_wait3A_64 = tpu.memref_slice %arg4[%dma_wait3A_62, %dma_wait3A_63] : memref<100000x128xf32, #tpu.memory_space<hbm>> -> memref<100000x128xf32, #tpu.memory_space<hbm>>
    tpu.wait_indirect_dma semaphore(%arg12 : memref<!tpu.dma_semaphore, #tpu.memory_space<semaphore_mem>>) src(%dma_wait3A_64 : memref<100000x128xf32, #tpu.memory_space<hbm>>) dst(%dma_wait3A_58 : memref<128x128xf32, #tpu.memory_space<vmem>>)
    %dma_wait3A_65 = arith.constant 1 : i32
    %dma_wait3A_66 = arith.constant 1 : i32
    %dma_wait3A_67 = arith.constant 0 : i32
    %dma_wait3A_68 = arith.constant 0 : i32
    %dma_wait3A_69 = tpu.memref_slice %arg10[%dma_wait3A_66, %dma_wait3A_67, %dma_wait3A_68] : memref<2x128x128xf32, #tpu.memory_space<vmem>> -> memref<1x128x128xf32, #tpu.memory_space<vmem>>
    %dma_wait3A_70 = tpu.memref_squeeze %dma_wait3A_69 : memref<1x128x128xf32, #tpu.memory_space<vmem>> -> memref<128x128xf32, #tpu.memory_space<vmem>>
    %dma_wait3A_71 = arith.constant 0 : i32
    %dma_wait3A_72 = tpu.memref_slice %arg8[%dma_wait3A_65, %dma_wait3A_71] : memref<2x128xi32, #tpu.memory_space<vmem>> -> memref<1x128xi32, #tpu.memory_space<vmem>>
    %dma_wait3A_73 = tpu.memref_squeeze %dma_wait3A_72 : memref<1x128xi32, #tpu.memory_space<vmem>> -> memref<128xi32, #tpu.memory_space<vmem>>
    %dma_wait3A_74 = arith.constant 0 : i32
    %dma_wait3A_75 = arith.constant 0 : i32
    %dma_wait3A_76 = tpu.memref_slice %arg4[%dma_wait3A_74, %dma_wait3A_75] : memref<100000x128xf32, #tpu.memory_space<hbm>> -> memref<100000x128xf32, #tpu.memory_space<hbm>>
    tpu.wait_indirect_dma semaphore(%arg12 : memref<!tpu.dma_semaphore, #tpu.memory_space<semaphore_mem>>) src(%dma_wait3A_76 : memref<100000x128xf32, #tpu.memory_space<hbm>>) dst(%dma_wait3A_70 : memref<128x128xf32, #tpu.memory_space<vmem>>)
    "tpu.region"() ({
      %run_scoped3A = tpu.sem_alloc : memref<!tpu.dma_semaphore, #tpu.memory_space<semaphore_mem>>
      %dma_start3A_101 = arith.constant 0 : i32
      %dma_start3A_102 = arith.constant 0 : i32
      %dma_start3A_103 = tpu.memref_slice %arg6[%mul3A_6, %dma_start3A_101, %dma_start3A_102] : memref<64x128x128xf32, #tpu.memory_space<hbm>> -> memref<2x128x128xf32, #tpu.memory_space<hbm>>
      %dma_start3A_104 = arith.constant 0 : i32
      %dma_start3A_105 = arith.constant 0 : i32
      %dma_start3A_106 = tpu.memref_slice %arg6[%mul3A_6, %dma_start3A_104, %dma_start3A_105] : memref<64x128x128xf32, #tpu.memory_space<hbm>> -> memref<2x128x128xf32, #tpu.memory_space<hbm>>
      tpu.enqueue_dma source(%arg10 : memref<2x128x128xf32, #tpu.memory_space<vmem>>) target(%dma_start3A_106 : memref<2x128x128xf32, #tpu.memory_space<hbm>>) target_semaphore(%run_scoped3A : memref<!tpu.dma_semaphore, #tpu.memory_space<semaphore_mem>>)
      %dma_wait3A_107 = arith.constant 0 : i32
      %dma_wait3A_108 = arith.constant 0 : i32
      %dma_wait3A_109 = tpu.memref_slice %arg6[%mul3A_6, %dma_wait3A_107, %dma_wait3A_108] : memref<64x128x128xf32, #tpu.memory_space<hbm>> -> memref<2x128x128xf32, #tpu.memory_space<hbm>>
      %dma_wait3A_110 = arith.constant 0 : i32
      %dma_wait3A_111 = arith.constant 0 : i32
      %dma_wait3A_112 = tpu.memref_slice %arg6[%mul3A_6, %dma_wait3A_110, %dma_wait3A_111] : memref<64x128x128xf32, #tpu.memory_space<hbm>> -> memref<2x128x128xf32, #tpu.memory_space<hbm>>
      tpu.wait_dma2 semaphore(%run_scoped3A : memref<!tpu.dma_semaphore, #tpu.memory_space<semaphore_mem>>) src(%arg10 : memref<2x128x128xf32, #tpu.memory_space<vmem>>) dst(%dma_wait3A_112 : memref<2x128x128xf32, #tpu.memory_space<hbm>>)
      tpu.yield
    }) : () -> ()
    %dma_wait3A_77 = arith.constant 0 : i32
    %dma_wait3A_78 = arith.constant 0 : i32
    %dma_wait3A_79 = arith.constant 0 : i32
    %dma_wait3A_80 = arith.constant 0 : i32
    %dma_wait3A_81 = tpu.memref_slice %arg11[%dma_wait3A_78, %dma_wait3A_79, %dma_wait3A_80] : memref<2x128x128xf32, #tpu.memory_space<vmem>> -> memref<1x128x128xf32, #tpu.memory_space<vmem>>
    %dma_wait3A_82 = tpu.memref_squeeze %dma_wait3A_81 : memref<1x128x128xf32, #tpu.memory_space<vmem>> -> memref<128x128xf32, #tpu.memory_space<vmem>>
    %dma_wait3A_83 = arith.constant 0 : i32
    %dma_wait3A_84 = tpu.memref_slice %arg9[%dma_wait3A_77, %dma_wait3A_83] : memref<2x128xi32, #tpu.memory_space<vmem>> -> memref<1x128xi32, #tpu.memory_space<vmem>>
    %dma_wait3A_85 = tpu.memref_squeeze %dma_wait3A_84 : memref<1x128xi32, #tpu.memory_space<vmem>> -> memref<128xi32, #tpu.memory_space<vmem>>
    %dma_wait3A_86 = arith.constant 0 : i32
    %dma_wait3A_87 = arith.constant 0 : i32
    %dma_wait3A_88 = tpu.memref_slice %arg5[%dma_wait3A_86, %dma_wait3A_87] : memref<100000x128xf32, #tpu.memory_space<hbm>> -> memref<100000x128xf32, #tpu.memory_space<hbm>>
    tpu.wait_indirect_dma semaphore(%arg13 : memref<!tpu.dma_semaphore, #tpu.memory_space<semaphore_mem>>) src(%dma_wait3A_88 : memref<100000x128xf32, #tpu.memory_space<hbm>>) dst(%dma_wait3A_82 : memref<128x128xf32, #tpu.memory_space<vmem>>)
    %dma_wait3A_89 = arith.constant 1 : i32
    %dma_wait3A_90 = arith.constant 1 : i32
    %dma_wait3A_91 = arith.constant 0 : i32
    %dma_wait3A_92 = arith.constant 0 : i32
    %dma_wait3A_93 = tpu.memref_slice %arg11[%dma_wait3A_90, %dma_wait3A_91, %dma_wait3A_92] : memref<2x128x128xf32, #tpu.memory_space<vmem>> -> memref<1x128x128xf32, #tpu.memory_space<vmem>>
    %dma_wait3A_94 = tpu.memref_squeeze %dma_wait3A_93 : memref<1x128x128xf32, #tpu.memory_space<vmem>> -> memref<128x128xf32, #tpu.memory_space<vmem>>
    %dma_wait3A_95 = arith.constant 0 : i32
    %dma_wait3A_96 = tpu.memref_slice %arg9[%dma_wait3A_89, %dma_wait3A_95] : memref<2x128xi32, #tpu.memory_space<vmem>> -> memref<1x128xi32, #tpu.memory_space<vmem>>
    %dma_wait3A_97 = tpu.memref_squeeze %dma_wait3A_96 : memref<1x128xi32, #tpu.memory_space<vmem>> -> memref<128xi32, #tpu.memory_space<vmem>>
    %dma_wait3A_98 = arith.constant 0 : i32
    %dma_wait3A_99 = arith.constant 0 : i32
    %dma_wait3A_100 = tpu.memref_slice %arg5[%dma_wait3A_98, %dma_wait3A_99] : memref<100000x128xf32, #tpu.memory_space<hbm>> -> memref<100000x128xf32, #tpu.memory_space<hbm>>
    tpu.wait_indirect_dma semaphore(%arg13 : memref<!tpu.dma_semaphore, #tpu.memory_space<semaphore_mem>>) src(%dma_wait3A_100 : memref<100000x128xf32, #tpu.memory_space<hbm>>) dst(%dma_wait3A_94 : memref<128x128xf32, #tpu.memory_space<vmem>>)
    "tpu.region"() ({
      %run_scoped3A = tpu.sem_alloc : memref<!tpu.dma_semaphore, #tpu.memory_space<semaphore_mem>>
      %dma_start3A_101 = arith.constant 0 : i32
      %dma_start3A_102 = arith.constant 0 : i32
      %dma_start3A_103 = tpu.memref_slice %arg7[%mul3A_6, %dma_start3A_101, %dma_start3A_102] : memref<64x128x128xf32, #tpu.memory_space<hbm>> -> memref<2x128x128xf32, #tpu.memory_space<hbm>>
      %dma_start3A_104 = arith.constant 0 : i32
      %dma_start3A_105 = arith.constant 0 : i32
      %dma_start3A_106 = tpu.memref_slice %arg7[%mul3A_6, %dma_start3A_104, %dma_start3A_105] : memref<64x128x128xf32, #tpu.memory_space<hbm>> -> memref<2x128x128xf32, #tpu.memory_space<hbm>>
      tpu.enqueue_dma source(%arg11 : memref<2x128x128xf32, #tpu.memory_space<vmem>>) target(%dma_start3A_106 : memref<2x128x128xf32, #tpu.memory_space<hbm>>) target_semaphore(%run_scoped3A : memref<!tpu.dma_semaphore, #tpu.memory_space<semaphore_mem>>)
      %dma_wait3A_107 = arith.constant 0 : i32
      %dma_wait3A_108 = arith.constant 0 : i32
      %dma_wait3A_109 = tpu.memref_slice %arg7[%mul3A_6, %dma_wait3A_107, %dma_wait3A_108] : memref<64x128x128xf32, #tpu.memory_space<hbm>> -> memref<2x128x128xf32, #tpu.memory_space<hbm>>
      %dma_wait3A_110 = arith.constant 0 : i32
      %dma_wait3A_111 = arith.constant 0 : i32
      %dma_wait3A_112 = tpu.memref_slice %arg7[%mul3A_6, %dma_wait3A_110, %dma_wait3A_111] : memref<64x128x128xf32, #tpu.memory_space<hbm>> -> memref<2x128x128xf32, #tpu.memory_space<hbm>>
      tpu.wait_dma2 semaphore(%run_scoped3A : memref<!tpu.dma_semaphore, #tpu.memory_space<semaphore_mem>>) src(%arg11 : memref<2x128x128xf32, #tpu.memory_space<vmem>>) dst(%dma_wait3A_112 : memref<2x128x128xf32, #tpu.memory_space<hbm>>)
      tpu.yield
    }) : () -> ()
    return
  }
}

#map = affine_map<(d0, d1) -> (0, 0)>
#map1 = affine_map<(d0, d1) -> (0, 0, 0)>
module attributes {stable_mosaic.version = 14 : i64} {
  func.func @sc_gather(%arg0: i32, %arg1: i32, %arg2: memref<128x128xi32, #tpu.memory_space<hbm>>, %arg3: memref<128x128xi32, #tpu.memory_space<hbm>>, %arg4: memref<100000x128xf32, #tpu.memory_space<hbm>>, %arg5: memref<100000x128xf32, #tpu.memory_space<hbm>>, %arg6: memref<64x128x128xf32, #tpu.memory_space<hbm>>, %arg7: memref<64x128x128xf32, #tpu.memory_space<hbm>>, %arg8: memref<2x128xi32, #tpu.memory_space<vmem>>, %arg9: memref<2x128xi32, #tpu.memory_space<vmem>>, %arg10: memref<2x128x128xf32, #tpu.memory_space<vmem>>, %arg11: memref<2x128x128xf32, #tpu.memory_space<vmem>>, %arg12: memref<!tpu.dma_semaphore, #tpu.memory_space<semaphore_mem>>, %arg13: memref<!tpu.dma_semaphore, #tpu.memory_space<semaphore_mem>>) attributes {dimension_semantics = [#tpu.dimension_semantics<core_parallel>, #tpu.dimension_semantics<subcore_parallel>], iteration_bounds = array<i64: 2, 16>, scalar_prefetch = 0 : i64, scratch_operands = 6 : i64, tpu.core_type = #tpu.core_type<sc_vector_subcore>, window_params = [{transform_indices = #map}, {transform_indices = #map}, {transform_indices = #map}, {transform_indices = #map}, {transform_indices = #map1}, {transform_indices = #map1}]} {
    %mul3A = arith.constant 2 : i32
    %mul3A_0 = arith.muli %arg1, %mul3A : i32
    %add3A = arith.addi %mul3A_0, %arg0 : i32
    %mul3A_1 = arith.constant 2 : i32
    %mul3A_2 = arith.muli %add3A, %mul3A_1 : i32
    %add3A_3 = arith.constant 64 : i32
    %add3A_4 = arith.addi %add3A_3, %mul3A_2 : i32
    %mul3A_5 = arith.constant 2 : i32
    %mul3A_6 = arith.muli %add3A, %mul3A_5 : i32
    "tpu.region"() ({
      %run_scoped3A = tpu.sem_alloc : memref<!tpu.dma_semaphore, #tpu.memory_space<semaphore_mem>>
      %dma_start3A_101 = arith.constant 0 : i32
      %dma_start3A_102 = tpu.memref_slice %arg2[%add3A_4, %dma_start3A_101] : memref<128x128xi32, #tpu.memory_space<hbm>> -> memref<2x128xi32, #tpu.memory_space<hbm>>
      %dma_start3A_103 = arith.constant 0 : i32
      %dma_start3A_104 = tpu.memref_slice %arg2[%add3A_4, %dma_start3A_103] : memref<128x128xi32, #tpu.memory_space<hbm>> -> memref<2x128xi32, #tpu.memory_space<hbm>>
      tpu.enqueue_dma source(%dma_start3A_104 : memref<2x128xi32, #tpu.memory_space<hbm>>) target(%arg8 : memref<2x128xi32, #tpu.memory_space<vmem>>) target_semaphore(%run_scoped3A : memref<!tpu.dma_semaphore, #tpu.memory_space<semaphore_mem>>)
      %dma_wait3A_105 = arith.constant 0 : i32
      %dma_wait3A_106 = tpu.memref_slice %arg2[%add3A_4, %dma_wait3A_105] : memref<128x128xi32, #tpu.memory_space<hbm>> -> memref<2x128xi32, #tpu.memory_space<hbm>>
      %dma_wait3A_107 = arith.constant 0 : i32
      %dma_wait3A_108 = tpu.memref_slice %arg2[%add3A_4, %dma_wait3A_107] : memref<128x128xi32, #tpu.memory_space<hbm>> -> memref<2x128xi32, #tpu.memory_space<hbm>>
      tpu.wait_dma2 semaphore(%run_scoped3A : memref<!tpu.dma_semaphore, #tpu.memory_space<semaphore_mem>>) src(%dma_wait3A_108 : memref<2x128xi32, #tpu.memory_space<hbm>>) dst(%arg8 : memref<2x128xi32, #tpu.memory_space<vmem>>)
      tpu.yield
    }) : () -> ()
    "tpu.region"() ({
      %run_scoped3A = tpu.sem_alloc : memref<!tpu.dma_semaphore, #tpu.memory_space<semaphore_mem>>
      %dma_start3A_101 = arith.constant 0 : i32
      %dma_start3A_102 = tpu.memref_slice %arg3[%add3A_4, %dma_start3A_101] : memref<128x128xi32, #tpu.memory_space<hbm>> -> memref<2x128xi32, #tpu.memory_space<hbm>>
      %dma_start3A_103 = arith.constant 0 : i32
      %dma_start3A_104 = tpu.memref_slice %arg3[%add3A_4, %dma_start3A_103] : memref<128x128xi32, #tpu.memory_space<hbm>> -> memref<2x128xi32, #tpu.memory_space<hbm>>
      tpu.enqueue_dma source(%dma_start3A_104 : memref<2x128xi32, #tpu.memory_space<hbm>>) target(%arg9 : memref<2x128xi32, #tpu.memory_space<vmem>>) target_semaphore(%run_scoped3A : memref<!tpu.dma_semaphore, #tpu.memory_space<semaphore_mem>>)
      %dma_wait3A_105 = arith.constant 0 : i32
      %dma_wait3A_106 = tpu.memref_slice %arg3[%add3A_4, %dma_wait3A_105] : memref<128x128xi32, #tpu.memory_space<hbm>> -> memref<2x128xi32, #tpu.memory_space<hbm>>
      %dma_wait3A_107 = arith.constant 0 : i32
      %dma_wait3A_108 = tpu.memref_slice %arg3[%add3A_4, %dma_wait3A_107] : memref<128x128xi32, #tpu.memory_space<hbm>> -> memref<2x128xi32, #tpu.memory_space<hbm>>
      tpu.wait_dma2 semaphore(%run_scoped3A : memref<!tpu.dma_semaphore, #tpu.memory_space<semaphore_mem>>) src(%dma_wait3A_108 : memref<2x128xi32, #tpu.memory_space<hbm>>) dst(%arg9 : memref<2x128xi32, #tpu.memory_space<vmem>>)
      tpu.yield
    }) : () -> ()
    %dma_start3A = arith.constant 0 : i32
    %dma_start3A_7 = arith.constant 0 : i32
    %dma_start3A_8 = arith.constant 0 : i32
    %dma_start3A_9 = arith.constant 0 : i32
    %dma_start3A_10 = tpu.memref_slice %arg10[%dma_start3A_7, %dma_start3A_8, %dma_start3A_9] : memref<2x128x128xf32, #tpu.memory_space<vmem>> -> memref<1x128x128xf32, #tpu.memory_space<vmem>>
    %dma_start3A_11 = tpu.memref_squeeze %dma_start3A_10 : memref<1x128x128xf32, #tpu.memory_space<vmem>> -> memref<128x128xf32, #tpu.memory_space<vmem>>
    %dma_start3A_12 = arith.constant 0 : i32
    %dma_start3A_13 = tpu.memref_slice %arg8[%dma_start3A, %dma_start3A_12] : memref<2x128xi32, #tpu.memory_space<vmem>> -> memref<1x128xi32, #tpu.memory_space<vmem>>
    %dma_start3A_14 = tpu.memref_squeeze %dma_start3A_13 : memref<1x128xi32, #tpu.memory_space<vmem>> -> memref<128xi32, #tpu.memory_space<vmem>>
    %dma_start3A_15 = arith.constant 0 : i32
    %dma_start3A_16 = arith.constant 0 : i32
    %dma_start3A_17 = tpu.memref_slice %arg4[%dma_start3A_15, %dma_start3A_16] : memref<100000x128xf32, #tpu.memory_space<hbm>> -> memref<100000x128xf32, #tpu.memory_space<hbm>>
    tpu.enqueue_indirect_dma source(%dma_start3A_17 : memref<100000x128xf32, #tpu.memory_space<hbm>>) target(%dma_start3A_11 : memref<128x128xf32, #tpu.memory_space<vmem>>) offsets(%dma_start3A_14 : memref<128xi32, #tpu.memory_space<vmem>>) semaphore(%arg12 : memref<!tpu.dma_semaphore, #tpu.memory_space<semaphore_mem>>)
    %dma_start3A_18 = arith.constant 1 : i32
    %dma_start3A_19 = arith.constant 1 : i32
    %dma_start3A_20 = arith.constant 0 : i32
    %dma_start3A_21 = arith.constant 0 : i32
    %dma_start3A_22 = tpu.memref_slice %arg10[%dma_start3A_19, %dma_start3A_20, %dma_start3A_21] : memref<2x128x128xf32, #tpu.memory_space<vmem>> -> memref<1x128x128xf32, #tpu.memory_space<vmem>>
    %dma_start3A_23 = tpu.memref_squeeze %dma_start3A_22 : memref<1x128x128xf32, #tpu.memory_space<vmem>> -> memref<128x128xf32, #tpu.memory_space<vmem>>
    %dma_start3A_24 = arith.constant 0 : i32
    %dma_start3A_25 = tpu.memref_slice %arg8[%dma_start3A_18, %dma_start3A_24] : memref<2x128xi32, #tpu.memory_space<vmem>> -> memref<1x128xi32, #tpu.memory_space<vmem>>
    %dma_start3A_26 = tpu.memref_squeeze %dma_start3A_25 : memref<1x128xi32, #tpu.memory_space<vmem>> -> memref<128xi32, #tpu.memory_space<vmem>>
    %dma_start3A_27 = arith.constant 0 : i32
    %dma_start3A_28 = arith.constant 0 : i32
    %dma_start3A_29 = tpu.memref_slice %arg4[%dma_start3A_27, %dma_start3A_28] : memref<100000x128xf32, #tpu.memory_space<hbm>> -> memref<100000x128xf32, #tpu.memory_space<hbm>>
    tpu.enqueue_indirect_dma source(%dma_start3A_29 : memref<100000x128xf32, #tpu.memory_space<hbm>>) target(%dma_start3A_23 : memref<128x128xf32, #tpu.memory_space<vmem>>) offsets(%dma_start3A_26 : memref<128xi32, #tpu.memory_space<vmem>>) semaphore(%arg12 : memref<!tpu.dma_semaphore, #tpu.memory_space<semaphore_mem>>)
    %dma_start3A_30 = arith.constant 0 : i32
    %dma_start3A_31 = arith.constant 0 : i32
    %dma_start3A_32 = arith.constant 0 : i32
    %dma_start3A_33 = arith.constant 0 : i32
    %dma_start3A_34 = tpu.memref_slice %arg11[%dma_start3A_31, %dma_start3A_32, %dma_start3A_33] : memref<2x128x128xf32, #tpu.memory_space<vmem>> -> memref<1x128x128xf32, #tpu.memory_space<vmem>>
    %dma_start3A_35 = tpu.memref_squeeze %dma_start3A_34 : memref<1x128x128xf32, #tpu.memory_space<vmem>> -> memref<128x128xf32, #tpu.memory_space<vmem>>
    %dma_start3A_36 = arith.constant 0 : i32
    %dma_start3A_37 = tpu.memref_slice %arg9[%dma_start3A_30, %dma_start3A_36] : memref<2x128xi32, #tpu.memory_space<vmem>> -> memref<1x128xi32, #tpu.memory_space<vmem>>
    %dma_start3A_38 = tpu.memref_squeeze %dma_start3A_37 : memref<1x128xi32, #tpu.memory_space<vmem>> -> memref<128xi32, #tpu.memory_space<vmem>>
    %dma_start3A_39 = arith.constant 0 : i32
    %dma_start3A_40 = arith.constant 0 : i32
    %dma_start3A_41 = tpu.memref_slice %arg5[%dma_start3A_39, %dma_start3A_40] : memref<100000x128xf32, #tpu.memory_space<hbm>> -> memref<100000x128xf32, #tpu.memory_space<hbm>>
    tpu.enqueue_indirect_dma source(%dma_start3A_41 : memref<100000x128xf32, #tpu.memory_space<hbm>>) target(%dma_start3A_35 : memref<128x128xf32, #tpu.memory_space<vmem>>) offsets(%dma_start3A_38 : memref<128xi32, #tpu.memory_space<vmem>>) semaphore(%arg13 : memref<!tpu.dma_semaphore, #tpu.memory_space<semaphore_mem>>)
    %dma_start3A_42 = arith.constant 1 : i32
    %dma_start3A_43 = arith.constant 1 : i32
    %dma_start3A_44 = arith.constant 0 : i32
    %dma_start3A_45 = arith.constant 0 : i32
    %dma_start3A_46 = tpu.memref_slice %arg11[%dma_start3A_43, %dma_start3A_44, %dma_start3A_45] : memref<2x128x128xf32, #tpu.memory_space<vmem>> -> memref<1x128x128xf32, #tpu.memory_space<vmem>>
    %dma_start3A_47 = tpu.memref_squeeze %dma_start3A_46 : memref<1x128x128xf32, #tpu.memory_space<vmem>> -> memref<128x128xf32, #tpu.memory_space<vmem>>
    %dma_start3A_48 = arith.constant 0 : i32
    %dma_start3A_49 = tpu.memref_slice %arg9[%dma_start3A_42, %dma_start3A_48] : memref<2x128xi32, #tpu.memory_space<vmem>> -> memref<1x128xi32, #tpu.memory_space<vmem>>
    %dma_start3A_50 = tpu.memref_squeeze %dma_start3A_49 : memref<1x128xi32, #tpu.memory_space<vmem>> -> memref<128xi32, #tpu.memory_space<vmem>>
    %dma_start3A_51 = arith.constant 0 : i32
    %dma_start3A_52 = arith.constant 0 : i32
    %dma_start3A_53 = tpu.memref_slice %arg5[%dma_start3A_51, %dma_start3A_52] : memref<100000x128xf32, #tpu.memory_space<hbm>> -> memref<100000x128xf32, #tpu.memory_space<hbm>>
    tpu.enqueue_indirect_dma source(%dma_start3A_53 : memref<100000x128xf32, #tpu.memory_space<hbm>>) target(%dma_start3A_47 : memref<128x128xf32, #tpu.memory_space<vmem>>) offsets(%dma_start3A_50 : memref<128xi32, #tpu.memory_space<vmem>>) semaphore(%arg13 : memref<!tpu.dma_semaphore, #tpu.memory_space<semaphore_mem>>)
    %dma_wait3A = arith.constant 0 : i32
    %dma_wait3A_54 = arith.constant 0 : i32
    %dma_wait3A_55 = arith.constant 0 : i32
    %dma_wait3A_56 = arith.constant 0 : i32
    %dma_wait3A_57 = tpu.memref_slice %arg10[%dma_wait3A_54, %dma_wait3A_55, %dma_wait3A_56] : memref<2x128x128xf32, #tpu.memory_space<vmem>> -> memref<1x128x128xf32, #tpu.memory_space<vmem>>
    %dma_wait3A_58 = tpu.memref_squeeze %dma_wait3A_57 : memref<1x128x128xf32, #tpu.memory_space<vmem>> -> memref<128x128xf32, #tpu.memory_space<vmem>>
    %dma_wait3A_59 = arith.constant 0 : i32
    %dma_wait3A_60 = tpu.memref_slice %arg8[%dma_wait3A, %dma_wait3A_59] : memref<2x128xi32, #tpu.memory_space<vmem>> -> memref<1x128xi32, #tpu.memory_space<vmem>>
    %dma_wait3A_61 = tpu.memref_squeeze %dma_wait3A_60 : memref<1x128xi32, #tpu.memory_space<vmem>> -> memref<128xi32, #tpu.memory_space<vmem>>
    %dma_wait3A_62 = arith.constant 0 : i32
    %dma_wait3A_63 = arith.constant 0 : i32
    %dma_wait3A_64 = tpu.memref_slice %arg4[%dma_wait3A_62, %dma_wait3A_63] : memref<100000x128xf32, #tpu.memory_space<hbm>> -> memref<100000x128xf32, #tpu.memory_space<hbm>>
    tpu.wait_indirect_dma semaphore(%arg12 : memref<!tpu.dma_semaphore, #tpu.memory_space<semaphore_mem>>) src(%dma_wait3A_64 : memref<100000x128xf32, #tpu.memory_space<hbm>>) dst(%dma_wait3A_58 : memref<128x128xf32, #tpu.memory_space<vmem>>)
    %dma_wait3A_65 = arith.constant 1 : i32
    %dma_wait3A_66 = arith.constant 1 : i32
    %dma_wait3A_67 = arith.constant 0 : i32
    %dma_wait3A_68 = arith.constant 0 : i32
    %dma_wait3A_69 = tpu.memref_slice %arg10[%dma_wait3A_66, %dma_wait3A_67, %dma_wait3A_68] : memref<2x128x128xf32, #tpu.memory_space<vmem>> -> memref<1x128x128xf32, #tpu.memory_space<vmem>>
    %dma_wait3A_70 = tpu.memref_squeeze %dma_wait3A_69 : memref<1x128x128xf32, #tpu.memory_space<vmem>> -> memref<128x128xf32, #tpu.memory_space<vmem>>
    %dma_wait3A_71 = arith.constant 0 : i32
    %dma_wait3A_72 = tpu.memref_slice %arg8[%dma_wait3A_65, %dma_wait3A_71] : memref<2x128xi32, #tpu.memory_space<vmem>> -> memref<1x128xi32, #tpu.memory_space<vmem>>
    %dma_wait3A_73 = tpu.memref_squeeze %dma_wait3A_72 : memref<1x128xi32, #tpu.memory_space<vmem>> -> memref<128xi32, #tpu.memory_space<vmem>>
    %dma_wait3A_74 = arith.constant 0 : i32
    %dma_wait3A_75 = arith.constant 0 : i32
    %dma_wait3A_76 = tpu.memref_slice %arg4[%dma_wait3A_74, %dma_wait3A_75] : memref<100000x128xf32, #tpu.memory_space<hbm>> -> memref<100000x128xf32, #tpu.memory_space<hbm>>
    tpu.wait_indirect_dma semaphore(%arg12 : memref<!tpu.dma_semaphore, #tpu.memory_space<semaphore_mem>>) src(%dma_wait3A_76 : memref<100000x128xf32, #tpu.memory_space<hbm>>) dst(%dma_wait3A_70 : memref<128x128xf32, #tpu.memory_space<vmem>>)
    "tpu.region"() ({
      %run_scoped3A = tpu.sem_alloc : memref<!tpu.dma_semaphore, #tpu.memory_space<semaphore_mem>>
      %dma_start3A_101 = arith.constant 0 : i32
      %dma_start3A_102 = arith.constant 0 : i32
      %dma_start3A_103 = tpu.memref_slice %arg6[%mul3A_6, %dma_start3A_101, %dma_start3A_102] : memref<64x128x128xf32, #tpu.memory_space<hbm>> -> memref<2x128x128xf32, #tpu.memory_space<hbm>>
      %dma_start3A_104 = arith.constant 0 : i32
      %dma_start3A_105 = arith.constant 0 : i32
      %dma_start3A_106 = tpu.memref_slice %arg6[%mul3A_6, %dma_start3A_104, %dma_start3A_105] : memref<64x128x128xf32, #tpu.memory_space<hbm>> -> memref<2x128x128xf32, #tpu.memory_space<hbm>>
      tpu.enqueue_dma source(%arg10 : memref<2x128x128xf32, #tpu.memory_space<vmem>>) target(%dma_start3A_106 : memref<2x128x128xf32, #tpu.memory_space<hbm>>) target_semaphore(%run_scoped3A : memref<!tpu.dma_semaphore, #tpu.memory_space<semaphore_mem>>)
      %dma_wait3A_107 = arith.constant 0 : i32
      %dma_wait3A_108 = arith.constant 0 : i32
      %dma_wait3A_109 = tpu.memref_slice %arg6[%mul3A_6, %dma_wait3A_107, %dma_wait3A_108] : memref<64x128x128xf32, #tpu.memory_space<hbm>> -> memref<2x128x128xf32, #tpu.memory_space<hbm>>
      %dma_wait3A_110 = arith.constant 0 : i32
      %dma_wait3A_111 = arith.constant 0 : i32
      %dma_wait3A_112 = tpu.memref_slice %arg6[%mul3A_6, %dma_wait3A_110, %dma_wait3A_111] : memref<64x128x128xf32, #tpu.memory_space<hbm>> -> memref<2x128x128xf32, #tpu.memory_space<hbm>>
      tpu.wait_dma2 semaphore(%run_scoped3A : memref<!tpu.dma_semaphore, #tpu.memory_space<semaphore_mem>>) src(%arg10 : memref<2x128x128xf32, #tpu.memory_space<vmem>>) dst(%dma_wait3A_112 : memref<2x128x128xf32, #tpu.memory_space<hbm>>)
      tpu.yield
    }) : () -> ()
    %dma_wait3A_77 = arith.constant 0 : i32
    %dma_wait3A_78 = arith.constant 0 : i32
    %dma_wait3A_79 = arith.constant 0 : i32
    %dma_wait3A_80 = arith.constant 0 : i32
    %dma_wait3A_81 = tpu.memref_slice %arg11[%dma_wait3A_78, %dma_wait3A_79, %dma_wait3A_80] : memref<2x128x128xf32, #tpu.memory_space<vmem>> -> memref<1x128x128xf32, #tpu.memory_space<vmem>>
    %dma_wait3A_82 = tpu.memref_squeeze %dma_wait3A_81 : memref<1x128x128xf32, #tpu.memory_space<vmem>> -> memref<128x128xf32, #tpu.memory_space<vmem>>
    %dma_wait3A_83 = arith.constant 0 : i32
    %dma_wait3A_84 = tpu.memref_slice %arg9[%dma_wait3A_77, %dma_wait3A_83] : memref<2x128xi32, #tpu.memory_space<vmem>> -> memref<1x128xi32, #tpu.memory_space<vmem>>
    %dma_wait3A_85 = tpu.memref_squeeze %dma_wait3A_84 : memref<1x128xi32, #tpu.memory_space<vmem>> -> memref<128xi32, #tpu.memory_space<vmem>>
    %dma_wait3A_86 = arith.constant 0 : i32
    %dma_wait3A_87 = arith.constant 0 : i32
    %dma_wait3A_88 = tpu.memref_slice %arg5[%dma_wait3A_86, %dma_wait3A_87] : memref<100000x128xf32, #tpu.memory_space<hbm>> -> memref<100000x128xf32, #tpu.memory_space<hbm>>
    tpu.wait_indirect_dma semaphore(%arg13 : memref<!tpu.dma_semaphore, #tpu.memory_space<semaphore_mem>>) src(%dma_wait3A_88 : memref<100000x128xf32, #tpu.memory_space<hbm>>) dst(%dma_wait3A_82 : memref<128x128xf32, #tpu.memory_space<vmem>>)
    %dma_wait3A_89 = arith.constant 1 : i32
    %dma_wait3A_90 = arith.constant 1 : i32
    %dma_wait3A_91 = arith.constant 0 : i32
    %dma_wait3A_92 = arith.constant 0 : i32
    %dma_wait3A_93 = tpu.memref_slice %arg11[%dma_wait3A_90, %dma_wait3A_91, %dma_wait3A_92] : memref<2x128x128xf32, #tpu.memory_space<vmem>> -> memref<1x128x128xf32, #tpu.memory_space<vmem>>
    %dma_wait3A_94 = tpu.memref_squeeze %dma_wait3A_93 : memref<1x128x128xf32, #tpu.memory_space<vmem>> -> memref<128x128xf32, #tpu.memory_space<vmem>>
    %dma_wait3A_95 = arith.constant 0 : i32
    %dma_wait3A_96 = tpu.memref_slice %arg9[%dma_wait3A_89, %dma_wait3A_95] : memref<2x128xi32, #tpu.memory_space<vmem>> -> memref<1x128xi32, #tpu.memory_space<vmem>>
    %dma_wait3A_97 = tpu.memref_squeeze %dma_wait3A_96 : memref<1x128xi32, #tpu.memory_space<vmem>> -> memref<128xi32, #tpu.memory_space<vmem>>
    %dma_wait3A_98 = arith.constant 0 : i32
    %dma_wait3A_99 = arith.constant 0 : i32
    %dma_wait3A_100 = tpu.memref_slice %arg5[%dma_wait3A_98, %dma_wait3A_99] : memref<100000x128xf32, #tpu.memory_space<hbm>> -> memref<100000x128xf32, #tpu.memory_space<hbm>>
    tpu.wait_indirect_dma semaphore(%arg13 : memref<!tpu.dma_semaphore, #tpu.memory_space<semaphore_mem>>) src(%dma_wait3A_100 : memref<100000x128xf32, #tpu.memory_space<hbm>>) dst(%dma_wait3A_94 : memref<128x128xf32, #tpu.memory_space<vmem>>)
    "tpu.region"() ({
      %run_scoped3A = tpu.sem_alloc : memref<!tpu.dma_semaphore, #tpu.memory_space<semaphore_mem>>
      %dma_start3A_101 = arith.constant 0 : i32
      %dma_start3A_102 = arith.constant 0 : i32
      %dma_start3A_103 = tpu.memref_slice %arg7[%mul3A_6, %dma_start3A_101, %dma_start3A_102] : memref<64x128x128xf32, #tpu.memory_space<hbm>> -> memref<2x128x128xf32, #tpu.memory_space<hbm>>
      %dma_start3A_104 = arith.constant 0 : i32
      %dma_start3A_105 = arith.constant 0 : i32
      %dma_start3A_106 = tpu.memref_slice %arg7[%mul3A_6, %dma_start3A_104, %dma_start3A_105] : memref<64x128x128xf32, #tpu.memory_space<hbm>> -> memref<2x128x128xf32, #tpu.memory_space<hbm>>
      tpu.enqueue_dma source(%arg11 : memref<2x128x128xf32, #tpu.memory_space<vmem>>) target(%dma_start3A_106 : memref<2x128x128xf32, #tpu.memory_space<hbm>>) target_semaphore(%run_scoped3A : memref<!tpu.dma_semaphore, #tpu.memory_space<semaphore_mem>>)
      %dma_wait3A_107 = arith.constant 0 : i32
      %dma_wait3A_108 = arith.constant 0 : i32
      %dma_wait3A_109 = tpu.memref_slice %arg7[%mul3A_6, %dma_wait3A_107, %dma_wait3A_108] : memref<64x128x128xf32, #tpu.memory_space<hbm>> -> memref<2x128x128xf32, #tpu.memory_space<hbm>>
      %dma_wait3A_110 = arith.constant 0 : i32
      %dma_wait3A_111 = arith.constant 0 : i32
      %dma_wait3A_112 = tpu.memref_slice %arg7[%mul3A_6, %dma_wait3A_110, %dma_wait3A_111] : memref<64x128x128xf32, #tpu.memory_space<hbm>> -> memref<2x128x128xf32, #tpu.memory_space<hbm>>
      tpu.wait_dma2 semaphore(%run_scoped3A : memref<!tpu.dma_semaphore, #tpu.memory_space<semaphore_mem>>) src(%arg11 : memref<2x128x128xf32, #tpu.memory_space<vmem>>) dst(%dma_wait3A_112 : memref<2x128x128xf32, #tpu.memory_space<hbm>>)
      tpu.yield
    }) : () -> ()
    return
  }
}

module attributes {stable_mosaic.version = 14 : i64} {
  func.func @_mlp_body(%arg0: i32, %arg1: memref<4096x128xf32, #tpu.memory_space<vmem>>, %arg2: memref<4096x128xf32, #tpu.memory_space<vmem>>, %arg3: memref<128x128xf32, #tpu.memory_space<vmem>>, %arg4: memref<128x128xf32, #tpu.memory_space<vmem>>, %arg5: memref<1x128xf32, #tpu.memory_space<vmem>>, %arg6: memref<128x64xf32, #tpu.memory_space<vmem>>, %arg7: memref<1x64xf32, #tpu.memory_space<vmem>>, %arg8: memref<64x32xf32, #tpu.memory_space<vmem>>, %arg9: memref<1x32xf32, #tpu.memory_space<vmem>>, %arg10: memref<32x1xf32, #tpu.memory_space<vmem>>, %arg11: memref<1x1xf32, #tpu.memory_space<vmem>>, %arg12: memref<1x1x4096xf32, #tpu.memory_space<vmem>>) attributes {dimension_semantics = [#tpu.dimension_semantics<arbitrary>], iteration_bounds = array<i64: 2>, scalar_prefetch = 0 : i64, scratch_operands = 0 : i64, tpu.core_type = #tpu.core_type<tc>, window_params = [{transform_indices = @transform_0, window_bounds = array<i64: 4096, 128>}, {transform_indices = @transform_1, window_bounds = array<i64: 4096, 128>}, {pipeline_mode = #tpu.pipeline_mode<synchronous>, transform_indices = @transform_2, window_bounds = array<i64: 128, 128>}, {pipeline_mode = #tpu.pipeline_mode<synchronous>, transform_indices = @transform_3, window_bounds = array<i64: 128, 128>}, {pipeline_mode = #tpu.pipeline_mode<synchronous>, transform_indices = @transform_4, window_bounds = array<i64: 1, 128>}, {pipeline_mode = #tpu.pipeline_mode<synchronous>, transform_indices = @transform_5, window_bounds = array<i64: 128, 64>}, {pipeline_mode = #tpu.pipeline_mode<synchronous>, transform_indices = @transform_6, window_bounds = array<i64: 1, 64>}, {pipeline_mode = #tpu.pipeline_mode<synchronous>, transform_indices = @transform_7, window_bounds = array<i64: 64, 32>}, {pipeline_mode = #tpu.pipeline_mode<synchronous>, transform_indices = @transform_8, window_bounds = array<i64: 1, 32>}, {pipeline_mode = #tpu.pipeline_mode<synchronous>, transform_indices = @transform_9, window_bounds = array<i64: 32, 1>}, {pipeline_mode = #tpu.pipeline_mode<synchronous>, transform_indices = @transform_10, window_bounds = array<i64: 1, 1>}, {transform_indices = @transform_11, window_bounds = array<i64: 1, 1, 4096>}]} {
    %get3A = arith.constant 0 : index
    %get3A_0 = arith.constant 0 : index
    %get3A_1 = vector.load %arg1[%get3A, %get3A_0] : memref<4096x128xf32, #tpu.memory_space<vmem>>, vector<4096x128xf32>
    %get3A_2 = arith.constant 0 : index
    %get3A_3 = arith.constant 0 : index
    %get3A_4 = vector.load %arg3[%get3A_2, %get3A_3] : memref<128x128xf32, #tpu.memory_space<vmem>>, vector<128x128xf32>
    %dot_general3A = arith.constant dense<0.000000e+00> : vector<4096x128xf32>
    %dot_general3A_5 = tpu.matmul %get3A_1, %get3A_4, %dot_general3A {dimension_numbers = #tpu.dot_dimension_numbers<[1], [0], [0], [1], [0, 0, 1, 1], [], []>, transpose_lhs_hint = false} : vector<4096x128xf32>, vector<128x128xf32>, vector<4096x128xf32> -> vector<4096x128xf32>
    %get3A_6 = arith.constant 0 : index
    %get3A_7 = arith.constant 0 : index
    %get3A_8 = vector.load %arg2[%get3A_6, %get3A_7] : memref<4096x128xf32, #tpu.memory_space<vmem>>, vector<4096x128xf32>
    %get3A_9 = arith.constant 0 : index
    %get3A_10 = arith.constant 0 : index
    %get3A_11 = vector.load %arg4[%get3A_9, %get3A_10] : memref<128x128xf32, #tpu.memory_space<vmem>>, vector<128x128xf32>
    %dot_general3A_12 = arith.constant dense<0.000000e+00> : vector<4096x128xf32>
    %dot_general3A_13 = tpu.matmul %get3A_8, %get3A_11, %dot_general3A_12 {dimension_numbers = #tpu.dot_dimension_numbers<[1], [0], [0], [1], [0, 0, 1, 1], [], []>, transpose_lhs_hint = false} : vector<4096x128xf32>, vector<128x128xf32>, vector<4096x128xf32> -> vector<4096x128xf32>
    %add3A = arith.addf %dot_general3A_5, %dot_general3A_13 : vector<4096x128xf32>
    %get3A_14 = arith.constant 0 : index
    %get3A_15 = arith.constant 0 : index
    %get3A_16 = vector.load %arg5[%get3A_14, %get3A_15] : memref<1x128xf32, #tpu.memory_space<vmem>>, vector<1x128xf32>
    %add3A_17 = vector.broadcast %get3A_16 : vector<1x128xf32> to vector<4096x128xf32>
    %add3A_18 = arith.addf %add3A, %add3A_17 : vector<4096x128xf32>
    %max3A = arith.constant 0.000000e+00 : f32
    %max3A_19 = vector.broadcast %max3A : f32 to vector<4096x128xf32>
    %max3A_20 = arith.maximumf %add3A_18, %max3A_19 : vector<4096x128xf32>
    %get3A_21 = arith.constant 0 : index
    %get3A_22 = arith.constant 0 : index
    %get3A_23 = vector.load %arg6[%get3A_21, %get3A_22] : memref<128x64xf32, #tpu.memory_space<vmem>>, vector<128x64xf32>
    %dot_general3A_24 = arith.constant dense<0.000000e+00> : vector<4096x64xf32>
    %dot_general3A_25 = tpu.matmul %max3A_20, %get3A_23, %dot_general3A_24 {dimension_numbers = #tpu.dot_dimension_numbers<[1], [0], [0], [1], [0, 0, 1, 1], [], []>, transpose_lhs_hint = false} : vector<4096x128xf32>, vector<128x64xf32>, vector<4096x64xf32> -> vector<4096x64xf32>
    %get3A_26 = arith.constant 0 : index
    %get3A_27 = arith.constant 0 : index
    %get3A_28 = vector.load %arg7[%get3A_26, %get3A_27] : memref<1x64xf32, #tpu.memory_space<vmem>>, vector<1x64xf32>
    %add3A_29 = vector.broadcast %get3A_28 : vector<1x64xf32> to vector<4096x64xf32>
    %add3A_30 = arith.addf %dot_general3A_25, %add3A_29 : vector<4096x64xf32>
    %max3A_31 = arith.constant 0.000000e+00 : f32
    %max3A_32 = vector.broadcast %max3A_31 : f32 to vector<4096x64xf32>
    %max3A_33 = arith.maximumf %add3A_30, %max3A_32 : vector<4096x64xf32>
    %get3A_34 = arith.constant 0 : index
    %get3A_35 = arith.constant 0 : index
    %get3A_36 = vector.load %arg8[%get3A_34, %get3A_35] : memref<64x32xf32, #tpu.memory_space<vmem>>, vector<64x32xf32>
    %dot_general3A_37 = arith.constant dense<0.000000e+00> : vector<4096x32xf32>
    %dot_general3A_38 = tpu.matmul %max3A_33, %get3A_36, %dot_general3A_37 {dimension_numbers = #tpu.dot_dimension_numbers<[1], [0], [0], [1], [0, 0, 1, 1], [], []>, transpose_lhs_hint = false} : vector<4096x64xf32>, vector<64x32xf32>, vector<4096x32xf32> -> vector<4096x32xf32>
    %get3A_39 = arith.constant 0 : index
    %get3A_40 = arith.constant 0 : index
    %get3A_41 = vector.load %arg9[%get3A_39, %get3A_40] : memref<1x32xf32, #tpu.memory_space<vmem>>, vector<1x32xf32>
    %add3A_42 = vector.broadcast %get3A_41 : vector<1x32xf32> to vector<4096x32xf32>
    %add3A_43 = arith.addf %dot_general3A_38, %add3A_42 : vector<4096x32xf32>
    %max3A_44 = arith.constant 0.000000e+00 : f32
    %max3A_45 = vector.broadcast %max3A_44 : f32 to vector<4096x32xf32>
    %max3A_46 = arith.maximumf %add3A_43, %max3A_45 : vector<4096x32xf32>
    %get3A_47 = arith.constant 0 : index
    %get3A_48 = arith.constant 0 : index
    %get3A_49 = vector.load %arg10[%get3A_47, %get3A_48] : memref<32x1xf32, #tpu.memory_space<vmem>>, vector<32x1xf32>
    %dot_general3A_50 = arith.constant dense<0.000000e+00> : vector<4096x1xf32>
    %dot_general3A_51 = tpu.matmul %max3A_46, %get3A_49, %dot_general3A_50 {dimension_numbers = #tpu.dot_dimension_numbers<[1], [0], [0], [1], [0, 0, 1, 1], [], []>, transpose_lhs_hint = false} : vector<4096x32xf32>, vector<32x1xf32>, vector<4096x1xf32> -> vector<4096x1xf32>
    %get3A_52 = arith.constant 0 : index
    %get3A_53 = arith.constant 0 : index
    %get3A_54 = vector.load %arg11[%get3A_52, %get3A_53] : memref<1x1xf32, #tpu.memory_space<vmem>>, vector<1x1xf32>
    %get3A_55 = vector.extract %get3A_54[0, 0] : f32 from vector<1x1xf32>
    %add3A_56 = vector.broadcast %get3A_55 : f32 to vector<4096x1xf32>
    %add3A_57 = arith.addf %dot_general3A_51, %add3A_56 : vector<4096x1xf32>
    %reshape3A = vector.shape_cast %add3A_57 : vector<4096x1xf32> to vector<1x1x4096xf32>
    %swap3A = arith.constant 0 : index
    %swap3A_58 = arith.constant 0 : index
    %swap3A_59 = arith.constant 0 : index
    %swap3A_60 = vector.load %arg12[%swap3A, %swap3A_58, %swap3A_59] : memref<1x1x4096xf32, #tpu.memory_space<vmem>>, vector<1x1x4096xf32>
    tpu.vector_store %arg12[%swap3A, %swap3A_58, %swap3A_59], %reshape3A {strides = array<i32>} : memref<1x1x4096xf32, #tpu.memory_space<vmem>>, vector<1x1x4096xf32>,
    return
  }
  func.func @transform_0(%arg0: i32) -> (i32, i32) {
    %c0_i32 = arith.constant 0 : i32
    %c0_i32_0 = arith.constant 0 : i32
    return %arg0, %c0_i32 : i32, i32
  }
  func.func @transform_1(%arg0: i32) -> (i32, i32) {
    %c0_i32 = arith.constant 0 : i32
    %c0_i32_0 = arith.constant 0 : i32
    return %arg0, %c0_i32 : i32, i32
  }
  func.func @transform_2(%arg0: i32) -> (i32, i32) {
    %c0_i32 = arith.constant 0 : i32
    %c0_i32_0 = arith.constant 0 : i32
    %c0_i32_1 = arith.constant 0 : i32
    return %c0_i32, %c0_i32_0 : i32, i32
  }
  func.func @transform_3(%arg0: i32) -> (i32, i32) {
    %c0_i32 = arith.constant 0 : i32
    %c0_i32_0 = arith.constant 0 : i32
    %c0_i32_1 = arith.constant 0 : i32
    return %c0_i32, %c0_i32_0 : i32, i32
  }
  func.func @transform_4(%arg0: i32) -> (i32, i32) {
    %c0_i32 = arith.constant 0 : i32
    %c0_i32_0 = arith.constant 0 : i32
    %c0_i32_1 = arith.constant 0 : i32
    return %c0_i32, %c0_i32_0 : i32, i32
  }
  func.func @transform_5(%arg0: i32) -> (i32, i32) {
    %c0_i32 = arith.constant 0 : i32
    %c0_i32_0 = arith.constant 0 : i32
    %c0_i32_1 = arith.constant 0 : i32
    return %c0_i32, %c0_i32_0 : i32, i32
  }
  func.func @transform_6(%arg0: i32) -> (i32, i32) {
    %c0_i32 = arith.constant 0 : i32
    %c0_i32_0 = arith.constant 0 : i32
    %c0_i32_1 = arith.constant 0 : i32
    return %c0_i32, %c0_i32_0 : i32, i32
  }
  func.func @transform_7(%arg0: i32) -> (i32, i32) {
    %c0_i32 = arith.constant 0 : i32
    %c0_i32_0 = arith.constant 0 : i32
    %c0_i32_1 = arith.constant 0 : i32
    return %c0_i32, %c0_i32_0 : i32, i32
  }
  func.func @transform_8(%arg0: i32) -> (i32, i32) {
    %c0_i32 = arith.constant 0 : i32
    %c0_i32_0 = arith.constant 0 : i32
    %c0_i32_1 = arith.constant 0 : i32
    return %c0_i32, %c0_i32_0 : i32, i32
  }
  func.func @transform_9(%arg0: i32) -> (i32, i32) {
    %c0_i32 = arith.constant 0 : i32
    %c0_i32_0 = arith.constant 0 : i32
    %c0_i32_1 = arith.constant 0 : i32
    return %c0_i32, %c0_i32_0 : i32, i32
  }
  func.func @transform_10(%arg0: i32) -> (i32, i32) {
    %c0_i32 = arith.constant 0 : i32
    %c0_i32_0 = arith.constant 0 : i32
    %c0_i32_1 = arith.constant 0 : i32
    return %c0_i32, %c0_i32_0 : i32, i32
  }
  func.func @transform_11(%arg0: i32) -> (i32, i32, i32) {
    %c0_i32 = arith.constant 0 : i32
    %c0_i32_0 = arith.constant 0 : i32
    %c0_i32_1 = arith.constant 0 : i32
    return %arg0, %c0_i32, %c0_i32_0 : i32, i32, i32
  }
}

</mosaic_0001>

<sc_bundles>
// kernel: kernel.6.cloned.1.call-start
scs
__scs_entry_jumppad:
0x0: {  	(pc) =	sbr.rel $0x88, $3  }
0x1: {  	(tag) =	ssettag $0x0;
	lr =	simm.s32 $0x1  }
0x2: {  	[smem:$0x3F95] =	sst lr;
	_ =	strace $0xD0000000  }
0x3: {  	_ = 	snop  }
0x4: {  	_ = 	snop  }
0x5: {  	_ = 	snop  }
0x6: {  	_ = 	snop  }
0x7: {  	_ = 	snop  }
__scs_overlays_trampoline_lowered:
0x8: {  	[smem:$0x3FA4] =	sst s0  }
0x9: {  	[smem:$0x3FA5] =	sst s1  }
0xa: {  	[smem:$0x3FA6] =	sst s2  }
0xb: {  	[smem:$0x3FA7] =	sst s3  }
0xc: {  	[smem:$0x3FA8] =	sst s4  }
0xd: {  	[smem:$0x3FA9] =	sst s5  }
0xe: {  	[smem:$0x3FAA] =	sst s6  }
0xf: {  	[smem:$0x3FAB] =	sst s7  }
0x10: {  	[smem:$0x3FAC] =	sst s8  }
0x11: {  	[smem:$0x3FAD] =	sst s9;
	s0 =	simm.s32 @!p0 $0x0  }
0x12: {  	s1 =	sld [smem:$0x3F93];
	s0 =	simm.s32 @p0 $0x1  }
0x13: {  	[smem:$0x3FAE] =	sst s0;
	s0 =	simm.s32 @!p1 $0x0  }
0x14: {  	s2 =	sld [smem:$0x3F92];
	s0 =	simm.s32 @p1 $0x1  }
0x15: {  	[smem:$0x3FAF] =	sst s0;
	s0 =	simm.s32 @!p2 $0x0  }
0x16: {  	s3 =	sld [smem:$0x3FDB];
	s0 =	simm.s32 @p2 $0x1  }
0x17: {  	s4 =	simm.s32 $0x1BF5;
	[smem:$0x3FB1] =	sst s0  }
0x18: {  	s0 =	sld [smem:$0x3F94];
	_ =	swait.ge [sflag:s4], $0x0  }
0x19: {  	s7 =	sld [smem:$0x3F95]  }
0x1a: {  	s8 =	sadd.s32 $0xFFFFE003, lr  }
0x1b: {  	s9 =	sadd.s32 $0xFFFFFEF7, lr;
	s5 =	simm.s32 $0xFFFFFFFF;
	p2 =	slt.u32 s8, $0xFFFFF086  }
0x1c: {  	p1 =	slt.u32 s9, $0xF7A;
	s5 =	simm.s32 @!p2 $0x0  }
0x1d: {  	s5 =	simm.s32 @p1 $0x1;
	p0 =	seq.s32 s7, s2  }
0x1e: {  	s7 =	smul.u32 @!p0 $0xF7A, s2;
	p2 =	seq.s32 @!p0 s5, $0x0  }
0x1f: {  	s9 =	smul.u32 $0xF7A, s1;
	s8 =	simm.s32 @!p0 $0x1BF5;
	p2 =	por !p2, p0  }
0x20: {  	[sflag:s8] =	ssyncset.s32 @!p0 $0xFFFFF086;
	s6 =	sadd.s32 @!p0 s3, s7;
	s7 =	simm.s32 @!p0 $0x108  }
0x21: {  	s3 =	sadd.s32 s3, s9;
	s6 =	sadd.s32 @!p0 $0x88, s6;
	s7 =	simm.s32 @p2 $0x1082  }
0x22: {  	[simem:s7], [sflag:s8] =	dma.local @!p0 [hbm:s6], $0xF7A  }
0x23: {  	s9 =	sor.u32 $0xD0000000, s2;
	s6 =	simm.s32 $0x108;
	_ =	swait.ge @!p0 [sflag:s8], $0x0  }
0x24: {  	s3 =	sadd.s32 $0x88, s3;
	s6 =	simm.s32 @!p1 $0x1082;
	[sflag:s4] =	ssyncset.s32 $0xFFFFF086  }
0x25: {  	[simem:s6], [sflag:s4] =	dma.local [hbm:s3], $0xF7A  }
0x26: {  	[smem:$0x3F95] =	sst s1;
	(tag) =	ssettag s2;
	_ =	strace s9  }
0x27: {  	s1 =	sld [smem:$0x3FA5]  }
0x28: {  	s2 =	sld [smem:$0x3FA6]  }
0x29: {  	s4 =	sld [smem:$0x3FA8]  }
0x2a: {  	p0 =	seq.s32 s5, $0x0;
	s5 =	sld [smem:$0x3FA9]  }
0x2b: {  	s6 =	sld [smem:$0x3FAA]  }
0x2c: {  	s7 =	sld [smem:$0x3FAB]  }
0x2d: {  	s3 =	simm.s32 $0x108;
	s8 =	sld [smem:$0x3FAC]  }
0x2e: {  	s3 =	simm.s32 @!p0 $0x1082;
	s9 =	sld [smem:$0x3FAD]  }
0x2f: {  	lr =	sadd.s32 s0, s3;
	s0 =	sld [smem:$0x3FA4]  }
0x30: {  	s3 =	sld [smem:$0x3FA7]  }
0x31: {  	[smem:$0x3FB0] =	sst s10  }
0x32: {  	s10 =	sld [smem:$0x3FAE];
	_ =	sdelay $0x3  }
0x33: {  	p0 =	seq.s32 s10, $0x1;
	s10 =	sld [smem:$0x3FB0];
	_ =	sdelay $0x3  }
0x34: {  	[smem:$0x3FB0] =	sst s10  }
0x35: {  	s10 =	sld [smem:$0x3FAF];
	_ =	sdelay $0x3  }
0x36: {  	p1 =	seq.s32 s10, $0x1;
	s10 =	sld [smem:$0x3FB0];
	_ =	sdelay $0x3  }
0x37: {  	[smem:$0x3FB0] =	sst s10  }
0x38: {  	s10 =	sld [smem:$0x3FB1]  }
0x39: {  	_ = 	snop;
	(pc) =	sbr.ind lr, $3  }
0x3a: {  	_ = 	snop  }
0x3b: {  	_ = 	snop  }
0x3c: {  	p2 =	seq.s32 s10, $0x1;
	s10 =	sld [smem:$0x3FB0]  }
0x3d: {  	_ =	shalt  }
0x3e: {  	_ =	shalt  }
0x3f: {  	_ =	shalt  }
0x40: {  	_ =	shalt  }
0x41: {  	_ =	shalt  }
0x42: {  	_ =	shalt  }
0x43: {  	_ =	shalt  }
0x44: {  	_ =	shalt  }
0x45: {  	_ =	shalt  }
0x46: {  	_ =	shalt  }
0x47: {  	_ =	shalt  }
0x48: {  	_ =	shalt  }
0x49: {  	_ =	shalt  }
0x4a: {  	_ =	shalt  }
0x4b: {  	_ =	shalt  }
0x4c: {  	_ =	shalt  }
0x4d: {  	_ =	shalt  }
0x4e: {  	_ =	shalt  }
0x4f: {  	_ =	shalt  }
0x50: {  	_ =	shalt  }
0x51: {  	_ =	shalt  }
0x52: {  	_ =	shalt  }
0x53: {  	_ =	shalt  }
0x54: {  	_ =	shalt  }
0x55: {  	_ =	shalt  }
0x56: {  	_ =	shalt  }
0x57: {  	_ =	shalt  }
0x58: {  	_ =	shalt  }
0x59: {  	_ =	shalt  }
0x5a: {  	_ =	shalt  }
0x5b: {  	_ =	shalt  }
0x5c: {  	_ =	shalt  }
0x5d: {  	_ =	shalt  }
0x5e: {  	_ =	shalt  }
0x5f: {  	_ =	shalt  }
0x60: {  	_ =	shalt  }
0x61: {  	_ =	shalt  }
0x62: {  	_ =	shalt  }
0x63: {  	_ =	shalt  }
0x64: {  	_ =	shalt  }
0x65: {  	_ =	shalt  }
0x66: {  	_ =	shalt  }
0x67: {  	_ =	shalt  }
0x68: {  	_ =	shalt  }
0x69: {  	_ =	shalt  }
0x6a: {  	_ =	shalt  }
0x6b: {  	_ =	shalt  }
0x6c: {  	_ =	shalt  }
0x6d: {  	_ =	shalt  }
0x6e: {  	_ =	shalt  }
0x6f: {  	_ =	shalt  }
0x70: {  	_ =	shalt  }
0x71: {  	_ =	shalt  }
0x72: {  	_ =	shalt  }
0x73: {  	_ =	shalt  }
0x74: {  	_ =	shalt  }
0x75: {  	_ =	shalt  }
0x76: {  	_ =	shalt  }
0x77: {  	_ =	shalt  }
0x78: {  	_ =	shalt  }
0x79: {  	_ =	shalt  }
0x7a: {  	_ =	shalt  }
0x7b: {  	_ =	shalt  }
0x7c: {  	_ =	shalt  }
0x7d: {  	_ =	shalt  }
0x7e: {  	_ =	shalt  }
0x7f: {  	_ =	shalt  }
0x80: {  	_ =	shalt  }
0x81: {  	_ =	shalt  }
0x82: {  	_ =	shalt  }
0x83: {  	_ =	shalt  }
0x84: {  	_ =	shalt  }
0x85: {  	_ =	shalt  }
0x86: {  	_ =	shalt  }
0x87: {  	_ =	shalt  }
.Lfunc_end0:
.L_simem_size_0:
called_computation_lowered:
.L_overlay_start_0:
0x88: {  	s2 =	sld [smem:$0x3FD9]  }
0x89: {  	s3 =	sld [smem:$0x3FFE];
	_ =	sdelay $0x1  }
0x8a: {  	s1 =	srdreg.scid  }
0x8b: {  	s0 =	sand.u32 $0x1, s1  }
0x8c: {  	s17 =	sshll.u32 s0, $0xA;
	s2 =	sadd.s32 s3, s2  }
0x8d: {  	s2 =	sadd.s32 s2, s17  }
0x8e: {  	[smem:$0x3FBC] =	sst s2  }
0x8f: {  	_ = 	snop  }
0x90: {  	s18 =	sld [smem:$0x3FC9]  }
0x91: {  	s4 =	sld [smem:$0x3FC8]  }
0x92: {  	s5 =	sld [smem:$0x3FC7]  }
0x93: {  	s6 =	sld [smem:$0x3FC6];
	(tm) =	ssettm $0x1  }
0x94: {  	s19 =	sld [smem:$0x3FFB];
	_ =	sdelay $0x3  }
0x95: {  	_ =	strace s19  }
0x96: {  	s2 =	sld [smem:$0x3FFC];
	_ =	sdelay $0x3  }
0x97: {  	_ =	strace s2  }
0x98: {  	s2 =	sld [smem:$0x3FFD];
	_ =	sdelay $0x3  }
0x99: {  	_ =	strace s2  }
0x9a: {  	_ =	strace $0x8FFFFFFF  }
0x9b: {  	s20 =	sld [smem:$0x3FDB];
	_ =	sdelay $0x1  }
0x9c: {  	s7 =	simm.s32 $_scs_section_size  }
0x9d: {  	s8 =	simm.s32 $_size__tile_overlayer_lowered;
	s9 =	simm.s32 $_tile_overlayer_lowered  }
0x9e: {  	s10 =	simm.s32 $0x1BFF;
	s21 =	sshll.u32 s9, $0x1;
	s7 =	sadd.s32 s7, s20  }
0x9f: {  	s22 =	simm.s32 $0x0;
	s8 =	sshll.u32 s8, $0x1;
	s9 =	sadd.s32 s21, s7  }
0xa0: {  	[timem:s22], [sflag:s10] =	dma.local [hbm:s9], s8  }
0xa1: {  	_ =	swait.ge [sflag:s10], s8  }
0xa2: {  	s8 =	ssub.s32 $0x0, s8;
	[sflag:s10] =	ssyncset.done $0x0  }
0xa3: {  	[sflag:s10] =	ssyncadd.s32 s8;
	_ =	sdelay $0x1  }
0xa4: {  	s23 =	simm.s32 $0x1B8B  }
0xa5: {  	_ =	swait.ge [sflag:s23], $0x1  }
0xa6: {  	[sflag:s23] =	ssyncset.done $0x0  }
0xa7: {  	[sflag:s23] =	ssyncadd.s32 $0xFFFFFFFF  }
0xa8: {  	s8 =	sld [smem:$0x0]  }
0xa9: {  	s9 =	sand.u32 $0xFFFFFFFE, s1  }
0xaa: {  	p0 =	sne.s32 s1, s9  }
0xab: {  	s9 =	sshll.u32 @p0 s9, $0xE  }
0xac: {  	s9 =	sadd.s32 @p0 $0x11B8D, s9;
	s10 =	sshll.u32 @p0 s8, $0x11  }
0xad: {  	s9 =	sor.u32 @p0 s10, s9  }
0xae: {  	[sflag:s9] =	ssyncadd.remote.s32 @p0 $0x1;
	_ =	sdelay $0x1  }
0xaf: {  	s9 =	simm.s32 @p0 $0x1B8D  }
0xb0: {  	_ =	swait.eq @p0 [sflag:s9], $0x1  }
0xb1: {  	[sflag:s9] =	ssyncadd.s32 @p0 $0xFFFFFFFF  }
0xb2: {  	s10 =	sshll.u32 @!p0 s1, $0xE  }
0xb3: {  	s10 =	sor.u32 @!p0 $0x4000, s10;
	s9 =	simm.s32 @!p0 $0x1B8D  }
0xb4: {  	s8 =	sshll.u32 @!p0 s8, $0x11;
	s10 =	sadd.s32 @!p0 $0x11B8D, s10;
	_ =	swait.eq @!p0 [sflag:s9], $0x1  }
0xb5: {  	s8 =	sor.u32 @!p0 s8, s10;
	[sflag:s9] =	ssyncadd.s32 @!p0 $0xFFFFFFFF  }
0xb6: {  	s25 =	simm.s32 $0x1B8E;
	s24 =	sld [smem:$0x3FFE];
	[sflag:s8] =	ssyncadd.remote.s32 @!p0 $0x1  }
0xb7: {  	s26 =	simm.s32 $execute0_lowered;
	[smem:$0x3FD2] =	sst s25  }
0xb8: {  	s9 =	sshll.u32 s26, $0x1;
	_ =	strace $0x80000049;
	[dreg:$0x1] =	wrdreg $0xFFFFFFFF  }
0xb9: {  	s28 =	simm.s32 $_size_execute0_lowered;
	s7 =	sadd.s32 s7, s9;
	[dreg:$0x0] =	wrdreg $0x0  }
0xba: {  	s9 =	sshll.u32 s28, $0x1;
	[dreg:$0x2] =	wrdreg s7  }
0xbb: {  	[dreg:$0x3] =	wrdreg s9  }
0xbc: {  	[dreg:$0x4] =	wrdreg $0xC0  }
0xbd: {  	_ =	task [dreg:s22], $0x5FFFF  }
0xbe: {  	[dreg:$0x1] =	wrdreg $0xFFFFFFFF  }
0xbf: {  	[dreg:$0x0] =	wrdreg $0x60  }
0xc0: {  	[dreg:$0x2] =	wrdreg s18  }
0xc1: {  	[dreg:$0x3] =	wrdreg s4  }
0xc2: {  	[dreg:$0x4] =	wrdreg s5  }
0xc3: {  	[dreg:$0x5] =	wrdreg s6  }
0xc4: {  	[dreg:$0x6] =	wrdreg s24  }
0xc5: {  	[dreg:$0x7] =	wrdreg $0x9  }
0xc6: {  	_ =	task.clear_ibuf [dreg:s22], $0x8FFFF;
	_ =	strace $0x90000049  }
0xc7: {  	s29 =	simm.s32 $0x9;
	_ =	strace $0x8000004B  }
0xc8: {  	_ =	swait.ge [sflag:s29], $0x1  }
0xc9: {  	[sflag:s29] =	ssyncadd.s32 $0xFFFFFFFF  }
0xca: {  	_ =	strace $0x9000004B  }
0xcb: {  	_ =	sfence  }
0xcc: {  	s30 =	sld [smem:$0x0];
	_ =	sdelay $0x2  }
0xcd: {  	s31 =	sshll.u32 s1, $0xD;
	s1 =	sshrl.u32 s1, $0x2  }
0xce: {  	s4 =	sand.u32 $0x4000, s31;
	s1 =	sadd.s32 s1, s30  }
0xcf: {  	s0 =	sor.u32 s4, s0;
	s1 =	sshll.u32 s1, $0x11  }
0xd0: {  	s0 =	sor.u32 s1, s0  }
0xd1: {  	s0 =	sadd.s32 $0x8F2B, s0  }
0xd2: {  	[sflag:s0] =	ssyncadd.remote.s32 $0x1  }
0xd3: {  	_ =	sfence.sel $0xFFFF  }
0xd4: {  	[dreg:$0x0] =	wrdreg $0xFFFFFFFF;
	(pc) =	sbr.abs _section_cstart, $3  }
0xd5: {  	[dreg:$0x1] =	wrdreg $0xFFFFFFFF  }
0xd6: {  	_ =	task.clear_ibuf [dreg:s22], $0x2FFFF;
	_ =	strace $0x9FFFFFFF  }
0xd7: {  	(tm) =	ssettm $0x7FFFFFFF  }
tec
execute0_lowered:
.L_overlay_start_1:
0x0: {  	(tag) =	ssettag $0x1  }
0x1: {  	s5 =	rddreg [dreg:$0x0]  }
0x2: {  	s7 =	rddreg [dreg:$0x1]  }
0x3: {  	s1 =	rddreg [dreg:$0x2];
	s2 =	srdreg.scid  }
0x4: {  	s3 =	rddreg [dreg:$0x3];
	s0 =	stileid.u32;
	s18 =	sand.u32 $0x1, s2  }
0x5: {  	s16 =	rddreg [dreg:$0x4];
	s6 =	sshll.u32 s0, $0x2;
	s8 =	sshll.u32 s18, $0x1  }
0x6: {  	s4 =	simm.s32 $0x0;
	s2 =	rddreg [dreg:$0x5];
	s17 =	sor.u32 s8, s6  }
0x7: {  	[smem:$0x7FF] =	sst s4;
	s8 =	sshll.u32 s17, $0x4  }
0x8: {  	_ =	strace $0x8000004A;
	s6 =	sadd.s32 s5, s8;
	s5 =	simm.s32 $0x3  }
0x9: {  	[tilespmem:s4], [sflag:$0x3] =	stream.linear.gather [hbm4b:s6+s4], $0x100, $0x38;
	[tilespmem:$0x10200] =	vst v63  }
0xa: {  	_ =	swait.ge [sflag:s5], $0x100  }
0xb: {  	[sflag:s5] =	ssyncset.done $0x0  }
0xc: {  	s7 =	sadd.s32 s7, s8;
	s8 =	simm.s32 $0x100;
	[sflag:s5] =	ssyncadd.s32 $0xFFFFFF00  }
0xd: {  	[tilespmem:s8], [sflag:$0x3] =	stream.linear.gather [hbm4b:s7+s4], $0x100, $0x38;
	[tilespmem:$0x10200] =	vst v63  }
0xe: {  	_ =	swait.ge [sflag:s5], $0x100  }
0xf: {  	[sflag:s5] =	ssyncset.done $0x0  }
0x10: {  	s9 =	simm.s32 $0x80;
	s10 =	simm.s32 $0x200;
	[sflag:s5] =	ssyncadd.s32 $0xFFFFFF00  }
0x11: {  	[tilespmem:s10], [sflag:$0x1] =	stream.indirect.gather [hbm4b:s1+s9], $0x80, s4, s9, $0xb8;
	[tilespmem:$0x10200] =	vst v63  }
0x12: {  	s11 =	simm.s32 $0x4200  }
0x13: {  	[tilespmem:s11], [sflag:$0x1] =	stream.indirect.gather [hbm4b:s1+s9], $0x80, s9, s9, $0xb8;
	[tilespmem:$0x10200] =	vst v63  }
0x14: {  	s12 =	simm.s32 $0x8200  }
0x15: {  	[tilespmem:s12], [sflag:$0x2] =	stream.indirect.gather [hbm4b:s3+s9], $0x80, s8, s9, $0xb8;
	[tilespmem:$0x10200] =	vst v63  }
0x16: {  	s13 =	simm.s32 $0x180;
	s14 =	simm.s32 $0xC200;
	s15 =	simm.s32 $0x1  }
0x17: {  	[tilespmem:s14], [sflag:$0x2] =	stream.indirect.gather [hbm4b:s3+s9], $0x80, s13, s9, $0xb8;
	[tilespmem:$0x10200] =	vst v63  }
0x18: {  	_ =	swait.ge [sflag:s15], $0x4000  }
0x19: {  	[sflag:s15] =	ssyncset.done $0x0  }
0x1a: {  	[sflag:s15] =	ssyncadd.s32 $0xFFFFC000  }
0x1b: {  	s17 =	sshll.u32 s17, $0xB;
	_ =	swait.ge [sflag:s15], $0x4000  }
0x1c: {  	s19 =	sadd.s32 s17, s16;
	[sflag:s15] =	ssyncset.done $0x0  }
0x1d: {  	s16 =	sadd.s32 $0x42800, s19;
	[sflag:s15] =	ssyncadd.s32 $0xFFFFC000  }
0x1e: {  	[hbm4b:s16+s4] =	stream.linear.scatter [tilespmem:s10], [sflag:$0x3], $0x8000, $0x38;
	[tilespmem:$0x10200] =	vst v63  }
0x1f: {  	_ =	swait.ge [sflag:s5], $0x8000  }
0x20: {  	[sflag:s5] =	ssyncset.done $0x0  }
0x21: {  	s18 =	ssub.s32 $0x2, s18;
	s17 =	simm.s32 $0x2;
	[sflag:s5] =	ssyncadd.s32 $0xFFFF8000  }
0x22: {  	s20 =	sshrl.u32 s18, $0x1;
	_ =	swait.ge [sflag:s17], $0x4000  }
0x23: {  	s20 =	ssub.s32 s18, s20;
	[sflag:s17] =	ssyncset.done $0x0  }
0x24: {  	s31 =	smax.u32 s20, $0x1;
	[sflag:s17] =	ssyncadd.s32 $0xFFFFC000  }
0x25: {  	p0 =	sne.s32 s31, $0x1;
	_ =	swait.ge [sflag:s17], $0x4000  }
.Ltmp0:
0x26: {  	[sflag:s17] =	ssyncset.done $0x0;
	(pc) =	sbr.rel @!p0 .LBB2_2-.Ltmp0, $4  }
0x27: {  	s18 =	sadd.s32 $0x62800, s19;
	[sflag:s17] =	ssyncadd.s32 $0xFFFFC000  }
0x28: {  	[hbm4b:s18+s4] =	stream.linear.scatter [tilespmem:s12], [sflag:$0x3], $0x8000, $0x38;
	[tilespmem:$0x10200] =	vst v63  }
0x29: {  	_ =	swait.ge [sflag:s5], $0x8000  }
0x2a: {  	s19 =	sadd.s32 $0xFFFFFFFF, s31;
	[sflag:s5] =	ssyncset.done $0x0  }
.LBB2_1:
0x2b: {  	p0 =	sne.s32 s19, $0x1;
	s19 =	sadd.s32 $0xFFFFFFFF, s19;
	[sflag:s5] =	ssyncadd.s32 $0xFFFF8000  }
0x2c: {  	[tilespmem:s4], [sflag:$0x3] =	stream.linear.gather [hbm4b:s6+s4], $0x100, $0x38;
	[tilespmem:$0x10200] =	vst v63  }
0x2d: {  	_ =	swait.ge [sflag:s5], $0x100  }
0x2e: {  	[sflag:s5] =	ssyncset.done $0x0  }
0x2f: {  	[sflag:s5] =	ssyncadd.s32 $0xFFFFFF00  }
0x30: {  	[tilespmem:s8], [sflag:$0x3] =	stream.linear.gather [hbm4b:s7+s4], $0x100, $0x38;
	[tilespmem:$0x10200] =	vst v63  }
0x31: {  	_ =	swait.ge [sflag:s5], $0x100  }
0x32: {  	[sflag:s5] =	ssyncset.done $0x0  }
0x33: {  	[sflag:s5] =	ssyncadd.s32 $0xFFFFFF00  }
0x34: {  	[tilespmem:s10], [sflag:$0x1] =	stream.indirect.gather [hbm4b:s1+s9], $0x80, s4, s9, $0xb8;
	[tilespmem:$0x10200] =	vst v63  }
0x35: {  	_ = 	snop  }
0x36: {  	[tilespmem:s11], [sflag:$0x1] =	stream.indirect.gather [hbm4b:s1+s9], $0x80, s9, s9, $0xb8;
	[tilespmem:$0x10200] =	vst v63  }
0x37: {  	_ = 	snop  }
0x38: {  	[tilespmem:s12], [sflag:$0x2] =	stream.indirect.gather [hbm4b:s3+s9], $0x80, s8, s9, $0xb8;
	[tilespmem:$0x10200] =	vst v63  }
0x39: {  	_ = 	snop  }
0x3a: {  	[tilespmem:s14], [sflag:$0x2] =	stream.indirect.gather [hbm4b:s3+s9], $0x80, s13, s9, $0xb8;
	[tilespmem:$0x10200] =	vst v63  }
0x3b: {  	_ =	swait.ge [sflag:s15], $0x4000  }
0x3c: {  	[sflag:s15] =	ssyncset.done $0x0  }
0x3d: {  	[sflag:s15] =	ssyncadd.s32 $0xFFFFC000  }
0x3e: {  	_ =	swait.ge [sflag:s15], $0x4000  }
0x3f: {  	[sflag:s15] =	ssyncset.done $0x0  }
0x40: {  	[sflag:s15] =	ssyncadd.s32 $0xFFFFC000  }
0x41: {  	[hbm4b:s16+s4] =	stream.linear.scatter [tilespmem:s10], [sflag:$0x3], $0x8000, $0x38;
	[tilespmem:$0x10200] =	vst v63  }
0x42: {  	_ =	swait.ge [sflag:s5], $0x8000  }
0x43: {  	[sflag:s5] =	ssyncset.done $0x0  }
0x44: {  	[sflag:s5] =	ssyncadd.s32 $0xFFFF8000  }
0x45: {  	_ =	swait.ge [sflag:s17], $0x4000  }
0x46: {  	[sflag:s17] =	ssyncset.done $0x0  }
0x47: {  	[sflag:s17] =	ssyncadd.s32 $0xFFFFC000  }
0x48: {  	_ =	swait.ge [sflag:s17], $0x4000  }
.Ltmp1:
0x49: {  	[sflag:s17] =	ssyncset.done $0x0;
	(pc) =	sbr.rel @p0 .LBB2_1-.Ltmp1, $4  }
0x4a: {  	[sflag:s17] =	ssyncadd.s32 $0xFFFFC000  }
0x4b: {  	[hbm4b:s18+s4] =	stream.linear.scatter [tilespmem:s12], [sflag:$0x3], $0x8000, $0x38;
	[tilespmem:$0x10200] =	vst v63  }
0x4c: {  	_ =	swait.ge [sflag:s5], $0x8000  }
0x4d: {  	[sflag:s5] =	ssyncset.done $0x0  }
.LBB2_2:
0x4e: {  	[sflag:s5] =	ssyncadd.s32 $0xFFFF8000  }
0x4f: {  	_ =	sfence.sel $0x180000  }
0x50: {  	[bflag:$0x0] =	sbarrier.arrive $0xFFFF  }
0x51: {  	p0 =	sne.s32 s0, $0x0;
	_ =	strace $0x9000004A  }
0x52: {  	s0 =	sadd.s32 @!p0 $0x100000, s2;
	[bflag:$0x2] =	sbarrier.arrive $0xFFFF  }
0x53: {  	[sflag:s0] =	ssyncadd.tile.s32 @!p0 $0x1;
	_ =	shalt  }
.Lfunc_end2:
_tile_overlayer_lowered:
.L_overlay_start_2:
0x54: {  	(tag) =	ssettag $0x2  }
0x55: {  	s0 =	rddreg [dreg:$0x0];
	s2 =	stileid.u32  }
0x56: {  	s1 =	rddreg [dreg:$0x1];
	p0 =	sne.s32 s2, $0x0  }
0x57: {  	s3 =	rddreg [dreg:$0x2];
	[bflag:$0x3] =	sbarrier.arrive $0xFFFF;
	s2 =	simm.s32 @!p0 $0x1C03  }
0x58: {  	[timem:s3], [sflag:s2] =	dma.local @!p0 [hbm:s0], s1  }
0x59: {  	s0 =	simm.s32 @!p0 $0x3  }
0x5a: {  	_ =	swait.ge @!p0 [sflag:s0], s1  }
0x5b: {  	s1 =	ssub.s32 @!p0 $0x0, s1;
	[sflag:s0] =	ssyncset.done @!p0 $0x0  }
0x5c: {  	[sflag:s0] =	ssyncadd.s32 @!p0 s1  }
0x5d: {  	[bflag:$0x3] =	sbarrier.arrive $0xFFFF  }
0x5e: {  	_ =	shalt  }

// kernel: kernel.9.cloned.1.call-start
scs
__scs_entry_jumppad:
0x0: {  	(pc) =	sbr.rel $0x88, $3  }
0x1: {  	(tag) =	ssettag $0x0;
	lr =	simm.s32 $0x1  }
0x2: {  	[smem:$0x3F95] =	sst lr;
	_ =	strace $0xD0000000  }
0x3: {  	_ = 	snop  }
0x4: {  	_ = 	snop  }
0x5: {  	_ = 	snop  }
0x6: {  	_ = 	snop  }
0x7: {  	_ = 	snop  }
__scs_overlays_trampoline_lowered:
0x8: {  	[smem:$0x3FA4] =	sst s0  }
0x9: {  	[smem:$0x3FA5] =	sst s1  }
0xa: {  	[smem:$0x3FA6] =	sst s2  }
0xb: {  	[smem:$0x3FA7] =	sst s3  }
0xc: {  	[smem:$0x3FA8] =	sst s4  }
0xd: {  	[smem:$0x3FA9] =	sst s5  }
0xe: {  	[smem:$0x3FAA] =	sst s6  }
0xf: {  	[smem:$0x3FAB] =	sst s7  }
0x10: {  	[smem:$0x3FAC] =	sst s8  }
0x11: {  	[smem:$0x3FAD] =	sst s9;
	s0 =	simm.s32 @!p0 $0x0  }
0x12: {  	s1 =	sld [smem:$0x3F93];
	s0 =	simm.s32 @p0 $0x1  }
0x13: {  	[smem:$0x3FAE] =	sst s0;
	s0 =	simm.s32 @!p1 $0x0  }
0x14: {  	s2 =	sld [smem:$0x3F92];
	s0 =	simm.s32 @p1 $0x1  }
0x15: {  	[smem:$0x3FAF] =	sst s0;
	s0 =	simm.s32 @!p2 $0x0  }
0x16: {  	s3 =	sld [smem:$0x3FDB];
	s0 =	simm.s32 @p2 $0x1  }
0x17: {  	s4 =	simm.s32 $0x1BF5;
	[smem:$0x3FB1] =	sst s0  }
0x18: {  	s0 =	sld [smem:$0x3F94];
	_ =	swait.ge [sflag:s4], $0x0  }
0x19: {  	s7 =	sld [smem:$0x3F95]  }
0x1a: {  	s8 =	sadd.s32 $0xFFFFE003, lr  }
0x1b: {  	s9 =	sadd.s32 $0xFFFFFEF7, lr;
	s5 =	simm.s32 $0xFFFFFFFF;
	p2 =	slt.u32 s8, $0xFFFFF086  }
0x1c: {  	p1 =	slt.u32 s9, $0xF7A;
	s5 =	simm.s32 @!p2 $0x0  }
0x1d: {  	s5 =	simm.s32 @p1 $0x1;
	p0 =	seq.s32 s7, s2  }
0x1e: {  	s7 =	smul.u32 @!p0 $0xF7A, s2;
	p2 =	seq.s32 @!p0 s5, $0x0  }
0x1f: {  	s9 =	smul.u32 $0xF7A, s1;
	s8 =	simm.s32 @!p0 $0x1BF5;
	p2 =	por !p2, p0  }
0x20: {  	[sflag:s8] =	ssyncset.s32 @!p0 $0xFFFFF086;
	s6 =	sadd.s32 @!p0 s3, s7;
	s7 =	simm.s32 @!p0 $0x108  }
0x21: {  	s3 =	sadd.s32 s3, s9;
	s6 =	sadd.s32 @!p0 $0x88, s6;
	s7 =	simm.s32 @p2 $0x1082  }
0x22: {  	[simem:s7], [sflag:s8] =	dma.local @!p0 [hbm:s6], $0xF7A  }
0x23: {  	s9 =	sor.u32 $0xD0000000, s2;
	s6 =	simm.s32 $0x108;
	_ =	swait.ge @!p0 [sflag:s8], $0x0  }
0x24: {  	s3 =	sadd.s32 $0x88, s3;
	s6 =	simm.s32 @!p1 $0x1082;
	[sflag:s4] =	ssyncset.s32 $0xFFFFF086  }
0x25: {  	[simem:s6], [sflag:s4] =	dma.local [hbm:s3], $0xF7A  }
0x26: {  	[smem:$0x3F95] =	sst s1;
	(tag) =	ssettag s2;
	_ =	strace s9  }
0x27: {  	s1 =	sld [smem:$0x3FA5]  }
0x28: {  	s2 =	sld [smem:$0x3FA6]  }
0x29: {  	s4 =	sld [smem:$0x3FA8]  }
0x2a: {  	p0 =	seq.s32 s5, $0x0;
	s5 =	sld [smem:$0x3FA9]  }
0x2b: {  	s6 =	sld [smem:$0x3FAA]  }
0x2c: {  	s7 =	sld [smem:$0x3FAB]  }
0x2d: {  	s3 =	simm.s32 $0x108;
	s8 =	sld [smem:$0x3FAC]  }
0x2e: {  	s3 =	simm.s32 @!p0 $0x1082;
	s9 =	sld [smem:$0x3FAD]  }
0x2f: {  	lr =	sadd.s32 s0, s3;
	s0 =	sld [smem:$0x3FA4]  }
0x30: {  	s3 =	sld [smem:$0x3FA7]  }
0x31: {  	[smem:$0x3FB0] =	sst s10  }
0x32: {  	s10 =	sld [smem:$0x3FAE];
	_ =	sdelay $0x3  }
0x33: {  	p0 =	seq.s32 s10, $0x1;
	s10 =	sld [smem:$0x3FB0];
	_ =	sdelay $0x3  }
0x34: {  	[smem:$0x3FB0] =	sst s10  }
0x35: {  	s10 =	sld [smem:$0x3FAF];
	_ =	sdelay $0x3  }
0x36: {  	p1 =	seq.s32 s10, $0x1;
	s10 =	sld [smem:$0x3FB0];
	_ =	sdelay $0x3  }
0x37: {  	[smem:$0x3FB0] =	sst s10  }
0x38: {  	s10 =	sld [smem:$0x3FB1]  }
0x39: {  	_ = 	snop;
	(pc) =	sbr.ind lr, $3  }
0x3a: {  	_ = 	snop  }
0x3b: {  	_ = 	snop  }
0x3c: {  	p2 =	seq.s32 s10, $0x1;
	s10 =	sld [smem:$0x3FB0]  }
0x3d: {  	_ =	shalt  }
0x3e: {  	_ =	shalt  }
0x3f: {  	_ =	shalt  }
0x40: {  	_ =	shalt  }
0x41: {  	_ =	shalt  }
0x42: {  	_ =	shalt  }
0x43: {  	_ =	shalt  }
0x44: {  	_ =	shalt  }
0x45: {  	_ =	shalt  }
0x46: {  	_ =	shalt  }
0x47: {  	_ =	shalt  }
0x48: {  	_ =	shalt  }
0x49: {  	_ =	shalt  }
0x4a: {  	_ =	shalt  }
0x4b: {  	_ =	shalt  }
0x4c: {  	_ =	shalt  }
0x4d: {  	_ =	shalt  }
0x4e: {  	_ =	shalt  }
0x4f: {  	_ =	shalt  }
0x50: {  	_ =	shalt  }
0x51: {  	_ =	shalt  }
0x52: {  	_ =	shalt  }
0x53: {  	_ =	shalt  }
0x54: {  	_ =	shalt  }
0x55: {  	_ =	shalt  }
0x56: {  	_ =	shalt  }
0x57: {  	_ =	shalt  }
0x58: {  	_ =	shalt  }
0x59: {  	_ =	shalt  }
0x5a: {  	_ =	shalt  }
0x5b: {  	_ =	shalt  }
0x5c: {  	_ =	shalt  }
0x5d: {  	_ =	shalt  }
0x5e: {  	_ =	shalt  }
0x5f: {  	_ =	shalt  }
0x60: {  	_ =	shalt  }
0x61: {  	_ =	shalt  }
0x62: {  	_ =	shalt  }
0x63: {  	_ =	shalt  }
0x64: {  	_ =	shalt  }
0x65: {  	_ =	shalt  }
0x66: {  	_ =	shalt  }
0x67: {  	_ =	shalt  }
0x68: {  	_ =	shalt  }
0x69: {  	_ =	shalt  }
0x6a: {  	_ =	shalt  }
0x6b: {  	_ =	shalt  }
0x6c: {  	_ =	shalt  }
0x6d: {  	_ =	shalt  }
0x6e: {  	_ =	shalt  }
0x6f: {  	_ =	shalt  }
0x70: {  	_ =	shalt  }
0x71: {  	_ =	shalt  }
0x72: {  	_ =	shalt  }
0x73: {  	_ =	shalt  }
0x74: {  	_ =	shalt  }
0x75: {  	_ =	shalt  }
0x76: {  	_ =	shalt  }
0x77: {  	_ =	shalt  }
0x78: {  	_ =	shalt  }
0x79: {  	_ =	shalt  }
0x7a: {  	_ =	shalt  }
0x7b: {  	_ =	shalt  }
0x7c: {  	_ =	shalt  }
0x7d: {  	_ =	shalt  }
0x7e: {  	_ =	shalt  }
0x7f: {  	_ =	shalt  }
0x80: {  	_ =	shalt  }
0x81: {  	_ =	shalt  }
0x82: {  	_ =	shalt  }
0x83: {  	_ =	shalt  }
0x84: {  	_ =	shalt  }
0x85: {  	_ =	shalt  }
0x86: {  	_ =	shalt  }
0x87: {  	_ =	shalt  }
.Lfunc_end0:
.L_simem_size_0:
called_computation.1_lowered:
.L_overlay_start_0:
0x88: {  	s2 =	sld [smem:$0x3FD9]  }
0x89: {  	s3 =	sld [smem:$0x3FFE];
	_ =	sdelay $0x1  }
0x8a: {  	s1 =	srdreg.scid  }
0x8b: {  	s0 =	sand.u32 $0x1, s1  }
0x8c: {  	s17 =	sshll.u32 s0, $0xA;
	s2 =	sadd.s32 s3, s2  }
0x8d: {  	s2 =	sadd.s32 s2, s17  }
0x8e: {  	[smem:$0x3FBC] =	sst s2  }
0x8f: {  	_ = 	snop  }
0x90: {  	s2 =	sld [smem:$0x3FC9]  }
0x91: {  	s18 =	sld [smem:$0x3FC8]  }
0x92: {  	s4 =	sld [smem:$0x3FC7]  }
0x93: {  	s5 =	sld [smem:$0x3FC6];
	(tm) =	ssettm $0x1  }
0x94: {  	s6 =	sld [smem:$0x3FFB];
	_ =	sdelay $0x3  }
0x95: {  	_ =	strace s6  }
0x96: {  	s6 =	sld [smem:$0x3FFC];
	_ =	sdelay $0x3  }
0x97: {  	_ =	strace s6  }
0x98: {  	s6 =	sld [smem:$0x3FFD];
	_ =	sdelay $0x3  }
0x99: {  	_ =	strace s6  }
0x9a: {  	_ =	strace $0x8FFFFFFF  }
0x9b: {  	s19 =	sld [smem:$0x3FDB];
	_ =	sdelay $0x1  }
0x9c: {  	s7 =	simm.s32 $_scs_section_size  }
0x9d: {  	s8 =	simm.s32 $_size__tile_overlayer_lowered;
	s9 =	simm.s32 $_tile_overlayer_lowered  }
0x9e: {  	s22 =	simm.s32 $0x1BFF;
	s21 =	sshll.u32 s9, $0x1;
	s6 =	sadd.s32 s7, s19  }
0x9f: {  	s10 =	simm.s32 $0x0;
	s20 =	sshll.u32 s8, $0x1;
	s8 =	sadd.s32 s21, s6  }
0xa0: {  	[timem:s10], [sflag:s22] =	dma.local [hbm:s8], s20  }
0xa1: {  	_ =	swait.ge [sflag:s22], s20  }
0xa2: {  	s7 =	ssub.s32 $0x0, s20;
	[sflag:s22] =	ssyncset.done $0x0  }
0xa3: {  	[sflag:s22] =	ssyncadd.s32 s7;
	_ =	sdelay $0x1  }
0xa4: {  	s23 =	simm.s32 $0x1B8B  }
0xa5: {  	_ =	swait.ge [sflag:s23], $0x1  }
0xa6: {  	[sflag:s23] =	ssyncset.done $0x0  }
0xa7: {  	s25 =	simm.s32 $0x1B8E;
	s24 =	sld [smem:$0x3FFE];
	[sflag:s23] =	ssyncadd.s32 $0xFFFFFFFF  }
0xa8: {  	s26 =	simm.s32 $execute0_lowered;
	[smem:$0x3FD2] =	sst s25  }
0xa9: {  	s8 =	sshll.u32 s26, $0x1;
	_ =	strace $0x80000046;
	[dreg:$0x1] =	wrdreg $0xFFFFFFFF  }
0xaa: {  	s28 =	simm.s32 $_size_execute0_lowered;
	s6 =	sadd.s32 s6, s8;
	[dreg:$0x0] =	wrdreg $0x0  }
0xab: {  	s8 =	sshll.u32 s28, $0x1;
	[dreg:$0x2] =	wrdreg s6  }
0xac: {  	[dreg:$0x3] =	wrdreg s8  }
0xad: {  	[dreg:$0x4] =	wrdreg $0xC0  }
0xae: {  	_ =	task [dreg:s10], $0x5FFFF  }
0xaf: {  	[dreg:$0x1] =	wrdreg $0xFFFFFFFF  }
0xb0: {  	[dreg:$0x0] =	wrdreg $0x60  }
0xb1: {  	[dreg:$0x2] =	wrdreg s2  }
0xb2: {  	[dreg:$0x3] =	wrdreg s18  }
0xb3: {  	[dreg:$0x4] =	wrdreg s4  }
0xb4: {  	[dreg:$0x5] =	wrdreg s5  }
0xb5: {  	[dreg:$0x6] =	wrdreg s24  }
0xb6: {  	[dreg:$0x7] =	wrdreg $0xA  }
0xb7: {  	_ =	task.clear_ibuf [dreg:s10], $0x8FFFF;
	_ =	strace $0x90000046  }
0xb8: {  	s29 =	simm.s32 $0xA;
	_ =	strace $0x80000048  }
0xb9: {  	_ =	swait.ge [sflag:s29], $0x1  }
0xba: {  	[sflag:s29] =	ssyncadd.s32 $0xFFFFFFFF  }
0xbb: {  	_ =	strace $0x90000048  }
0xbc: {  	_ =	sfence  }
0xbd: {  	s30 =	sld [smem:$0x0];
	_ =	sdelay $0x2  }
0xbe: {  	s31 =	sshll.u32 s1, $0xD;
	s1 =	sshrl.u32 s1, $0x2  }
0xbf: {  	s3 =	sand.u32 $0x4000, s31;
	s1 =	sadd.s32 s1, s30  }
0xc0: {  	s0 =	sor.u32 s3, s0;
	s1 =	sshll.u32 s1, $0x11  }
0xc1: {  	s0 =	sor.u32 s1, s0  }
0xc2: {  	s0 =	sadd.s32 $0x8F2B, s0  }
0xc3: {  	[sflag:s0] =	ssyncadd.remote.s32 $0x1  }
0xc4: {  	_ =	sfence.sel $0xFFFF  }
0xc5: {  	[dreg:$0x0] =	wrdreg $0xFFFFFFFF;
	(pc) =	sbr.abs _section_cstart, $3  }
0xc6: {  	[dreg:$0x1] =	wrdreg $0xFFFFFFFF  }
0xc7: {  	_ =	task.clear_ibuf [dreg:s10], $0x2FFFF;
	_ =	strace $0x9FFFFFFF  }
0xc8: {  	(tm) =	ssettm $0x7FFFFFFF  }
0xc9: {  	_ =	shalt  }
tec
execute0_lowered:
.L_overlay_start_1:
0x0: {  	(tag) =	ssettag $0x1  }
0x1: {  	s5 =	rddreg [dreg:$0x0]  }
0x2: {  	s7 =	rddreg [dreg:$0x1];
	s2 =	srdreg.scid  }
0x3: {  	s1 =	rddreg [dreg:$0x2];
	s0 =	stileid.u32;
	s18 =	sand.u32 $0x1, s2  }
0x4: {  	s3 =	rddreg [dreg:$0x3];
	s30 =	sshll.u32 s0, $0x2;
	s4 =	sshll.u32 s18, $0x1  }
0x5: {  	s16 =	rddreg [dreg:$0x4];
	s17 =	sor.u32 s4, s30  }
0x6: {  	s2 =	rddreg [dreg:$0x5];
	s4 =	simm.s32 $0x0;
	s6 =	sshll.u32 s17, $0x4  }
0x7: {  	[smem:$0x7FF] =	sst s4;
	s8 =	sor.u32 $0x400, s6  }
0x8: {  	_ =	strace $0x80000047;
	s6 =	sadd.s32 s5, s8;
	s5 =	simm.s32 $0x3  }
0x9: {  	[tilespmem:s4], [sflag:$0x3] =	stream.linear.gather [hbm4b:s6+s4], $0x100, $0x38;
	[tilespmem:$0x10200] =	vst v63  }
0xa: {  	_ =	swait.ge [sflag:s5], $0x100  }
0xb: {  	[sflag:s5] =	ssyncset.done $0x0  }
0xc: {  	s7 =	sadd.s32 s7, s8;
	s8 =	simm.s32 $0x100;
	[sflag:s5] =	ssyncadd.s32 $0xFFFFFF00  }
0xd: {  	[tilespmem:s8], [sflag:$0x3] =	stream.linear.gather [hbm4b:s7+s4], $0x100, $0x38;
	[tilespmem:$0x10200] =	vst v63  }
0xe: {  	_ =	swait.ge [sflag:s5], $0x100  }
0xf: {  	[sflag:s5] =	ssyncset.done $0x0  }
0x10: {  	s9 =	simm.s32 $0x80;
	s10 =	simm.s32 $0x200;
	[sflag:s5] =	ssyncadd.s32 $0xFFFFFF00  }
0x11: {  	[tilespmem:s10], [sflag:$0x1] =	stream.indirect.gather [hbm4b:s1+s9], $0x80, s4, s9, $0xb8;
	[tilespmem:$0x10200] =	vst v63  }
0x12: {  	s11 =	simm.s32 $0x4200  }
0x13: {  	[tilespmem:s11], [sflag:$0x1] =	stream.indirect.gather [hbm4b:s1+s9], $0x80, s9, s9, $0xb8;
	[tilespmem:$0x10200] =	vst v63  }
0x14: {  	s12 =	simm.s32 $0x8200  }
0x15: {  	[tilespmem:s12], [sflag:$0x2] =	stream.indirect.gather [hbm4b:s3+s9], $0x80, s8, s9, $0xb8;
	[tilespmem:$0x10200] =	vst v63  }
0x16: {  	s13 =	simm.s32 $0x180;
	s14 =	simm.s32 $0xC200;
	s15 =	simm.s32 $0x1  }
0x17: {  	[tilespmem:s14], [sflag:$0x2] =	stream.indirect.gather [hbm4b:s3+s9], $0x80, s13, s9, $0xb8;
	[tilespmem:$0x10200] =	vst v63  }
0x18: {  	_ =	swait.ge [sflag:s15], $0x4000  }
0x19: {  	[sflag:s15] =	ssyncset.done $0x0  }
0x1a: {  	[sflag:s15] =	ssyncadd.s32 $0xFFFFC000  }
0x1b: {  	s17 =	sshll.u32 s17, $0xB;
	_ =	swait.ge [sflag:s15], $0x4000  }
0x1c: {  	s19 =	sadd.s32 s17, s16;
	[sflag:s15] =	ssyncset.done $0x0  }
0x1d: {  	s16 =	sadd.s32 $0x2800, s19;
	[sflag:s15] =	ssyncadd.s32 $0xFFFFC000  }
0x1e: {  	[hbm4b:s16+s4] =	stream.linear.scatter [tilespmem:s10], [sflag:$0x3], $0x8000, $0x38;
	[tilespmem:$0x10200] =	vst v63  }
0x1f: {  	_ =	swait.ge [sflag:s5], $0x8000  }
0x20: {  	[sflag:s5] =	ssyncset.done $0x0  }
0x21: {  	s18 =	ssub.s32 $0x2, s18;
	s17 =	simm.s32 $0x2;
	[sflag:s5] =	ssyncadd.s32 $0xFFFF8000  }
0x22: {  	s20 =	sshrl.u32 s18, $0x1;
	_ =	swait.ge [sflag:s17], $0x4000  }
0x23: {  	s20 =	ssub.s32 s18, s20;
	[sflag:s17] =	ssyncset.done $0x0  }
0x24: {  	s31 =	smax.u32 s20, $0x1;
	[sflag:s17] =	ssyncadd.s32 $0xFFFFC000  }
0x25: {  	p0 =	sne.s32 s31, $0x1;
	_ =	swait.ge [sflag:s17], $0x4000  }
.Ltmp0:
0x26: {  	[sflag:s17] =	ssyncset.done $0x0;
	(pc) =	sbr.rel @!p0 .LBB2_2-.Ltmp0, $4  }
0x27: {  	s18 =	sadd.s32 $0x22800, s19;
	[sflag:s17] =	ssyncadd.s32 $0xFFFFC000  }
0x28: {  	[hbm4b:s18+s4] =	stream.linear.scatter [tilespmem:s12], [sflag:$0x3], $0x8000, $0x38;
	[tilespmem:$0x10200] =	vst v63  }
0x29: {  	_ =	swait.ge [sflag:s5], $0x8000  }
0x2a: {  	s19 =	sadd.s32 $0xFFFFFFFF, s31;
	[sflag:s5] =	ssyncset.done $0x0  }
.LBB2_1:
0x2b: {  	p0 =	sne.s32 s19, $0x1;
	s19 =	sadd.s32 $0xFFFFFFFF, s19;
	[sflag:s5] =	ssyncadd.s32 $0xFFFF8000  }
0x2c: {  	[tilespmem:s4], [sflag:$0x3] =	stream.linear.gather [hbm4b:s6+s4], $0x100, $0x38;
	[tilespmem:$0x10200] =	vst v63  }
0x2d: {  	_ =	swait.ge [sflag:s5], $0x100  }
0x2e: {  	[sflag:s5] =	ssyncset.done $0x0  }
0x2f: {  	[sflag:s5] =	ssyncadd.s32 $0xFFFFFF00  }
0x30: {  	[tilespmem:s8], [sflag:$0x3] =	stream.linear.gather [hbm4b:s7+s4], $0x100, $0x38;
	[tilespmem:$0x10200] =	vst v63  }
0x31: {  	_ =	swait.ge [sflag:s5], $0x100  }
0x32: {  	[sflag:s5] =	ssyncset.done $0x0  }
0x33: {  	[sflag:s5] =	ssyncadd.s32 $0xFFFFFF00  }
0x34: {  	[tilespmem:s10], [sflag:$0x1] =	stream.indirect.gather [hbm4b:s1+s9], $0x80, s4, s9, $0xb8;
	[tilespmem:$0x10200] =	vst v63  }
0x35: {  	_ = 	snop  }
0x36: {  	[tilespmem:s11], [sflag:$0x1] =	stream.indirect.gather [hbm4b:s1+s9], $0x80, s9, s9, $0xb8;
	[tilespmem:$0x10200] =	vst v63  }
0x37: {  	_ = 	snop  }
0x38: {  	[tilespmem:s12], [sflag:$0x2] =	stream.indirect.gather [hbm4b:s3+s9], $0x80, s8, s9, $0xb8;
	[tilespmem:$0x10200] =	vst v63  }
0x39: {  	_ = 	snop  }
0x3a: {  	[tilespmem:s14], [sflag:$0x2] =	stream.indirect.gather [hbm4b:s3+s9], $0x80, s13, s9, $0xb8;
	[tilespmem:$0x10200] =	vst v63  }
0x3b: {  	_ =	swait.ge [sflag:s15], $0x4000  }
0x3c: {  	[sflag:s15] =	ssyncset.done $0x0  }
0x3d: {  	[sflag:s15] =	ssyncadd.s32 $0xFFFFC000  }
0x3e: {  	_ =	swait.ge [sflag:s15], $0x4000  }
0x3f: {  	[sflag:s15] =	ssyncset.done $0x0  }
0x40: {  	[sflag:s15] =	ssyncadd.s32 $0xFFFFC000  }
0x41: {  	[hbm4b:s16+s4] =	stream.linear.scatter [tilespmem:s10], [sflag:$0x3], $0x8000, $0x38;
	[tilespmem:$0x10200] =	vst v63  }
0x42: {  	_ =	swait.ge [sflag:s5], $0x8000  }
0x43: {  	[sflag:s5] =	ssyncset.done $0x0  }
0x44: {  	[sflag:s5] =	ssyncadd.s32 $0xFFFF8000  }
0x45: {  	_ =	swait.ge [sflag:s17], $0x4000  }
0x46: {  	[sflag:s17] =	ssyncset.done $0x0  }
0x47: {  	[sflag:s17] =	ssyncadd.s32 $0xFFFFC000  }
0x48: {  	_ =	swait.ge [sflag:s17], $0x4000  }
.Ltmp1:
0x49: {  	[sflag:s17] =	ssyncset.done $0x0;
	(pc) =	sbr.rel @p0 .LBB2_1-.Ltmp1, $4  }
0x4a: {  	[sflag:s17] =	ssyncadd.s32 $0xFFFFC000  }
0x4b: {  	[hbm4b:s18+s4] =	stream.linear.scatter [tilespmem:s12], [sflag:$0x3], $0x8000, $0x38;
	[tilespmem:$0x10200] =	vst v63  }
0x4c: {  	_ =	swait.ge [sflag:s5], $0x8000  }
0x4d: {  	[sflag:s5] =	ssyncset.done $0x0  }
.LBB2_2:
0x4e: {  	[sflag:s5] =	ssyncadd.s32 $0xFFFF8000  }
0x4f: {  	_ =	sfence.sel $0x180000  }
0x50: {  	[bflag:$0x0] =	sbarrier.arrive $0xFFFF  }
0x51: {  	p0 =	sne.s32 s0, $0x0;
	_ =	strace $0x90000047  }
0x52: {  	s0 =	sadd.s32 @!p0 $0x100000, s2;
	[bflag:$0x2] =	sbarrier.arrive $0xFFFF  }
0x53: {  	[sflag:s0] =	ssyncadd.tile.s32 @!p0 $0x1;
	_ =	shalt  }
.Lfunc_end2:
_tile_overlayer_lowered:
.L_overlay_start_2:
0x54: {  	(tag) =	ssettag $0x2  }
0x55: {  	s0 =	rddreg [dreg:$0x0];
	s2 =	stileid.u32  }
0x56: {  	s1 =	rddreg [dreg:$0x1];
	p0 =	sne.s32 s2, $0x0  }
0x57: {  	s3 =	rddreg [dreg:$0x2];
	[bflag:$0x3] =	sbarrier.arrive $0xFFFF;
	s2 =	simm.s32 @!p0 $0x1C03  }
0x58: {  	[timem:s3], [sflag:s2] =	dma.local @!p0 [hbm:s0], s1  }
0x59: {  	s0 =	simm.s32 @!p0 $0x3  }
0x5a: {  	_ =	swait.ge @!p0 [sflag:s0], s1  }
0x5b: {  	s1 =	ssub.s32 @!p0 $0x0, s1;
	[sflag:s0] =	ssyncset.done @!p0 $0x0  }
0x5c: {  	[sflag:s0] =	ssyncadd.s32 @!p0 s1  }
0x5d: {  	[bflag:$0x3] =	sbarrier.arrive $0xFFFF  }
0x5e: {  	_ =	shalt  }

</sc_bundles>
